<compile_context>
chip_gen: v7x
topology: tpu7x:2x2x1
jax: 0.10.2.dev20260603
libtpu: 0.0.44.dev20260713+nightly
codegen_flags: <defaults>
</compile_context>

<pallas_src>
import functools
import jax
import jax.numpy as jnp
from jax import lax
from jax.experimental import pallas as pl
from jax.experimental.pallas import tpu as pltpu
from jax.experimental.pallas import tpu_sc as plsc

_L = 16


def _matmul_call(x, W_l, b_l, W_r, b_r, N_pad):
    N = x.shape[0]

    def body(x_ref, wl_ref, bl_ref, wr_ref, br_ref, o_ref):
        w = jnp.concatenate([wl_ref[...], wr_ref[...]], axis=1)
        b = jnp.concatenate([bl_ref[...], br_ref[...]], axis=1)
        prod = jax.lax.dot_general(
            w, x_ref[...],
            dimension_numbers=(((0,), (1,)), ((), ())),
            preferred_element_type=jnp.float32,
        )
        o_ref[:, 0:N] = prod + b.T
        if N_pad > N:
            o_ref[:, N:N_pad] = jnp.zeros((4, N_pad - N), jnp.float32)

    return pl.pallas_call(
        body,
        out_shape=jax.ShapeDtypeStruct((4, N_pad), jnp.float32),
    )(x, W_l, b_l[None, :], W_r, b_r[None, :])


def _edge_call(xcat, edge_index, edge_attr, par, N_pad, NC, NS):
    NW = NC * NS
    E = int(edge_index.shape[1])
    E_pw = E // NW
    L_al = ((E_pw + 127) // 128) * 128 + 128
    ACC = N_pad * 3
    mesh = plsc.VectorSubcoreMesh(core_axis_name="c", subcore_axis_name="s")

    @functools.partial(
        pl.kernel,
        mesh=mesh,
        compiler_params=pltpu.CompilerParams(needs_layout_passes=False),
        out_type=jax.ShapeDtypeStruct((NW, ACC), jnp.float32),
        scratch_types=[
            pltpu.VMEM((N_pad,), jnp.float32),
            pltpu.VMEM((N_pad,), jnp.float32),
            pltpu.VMEM((N_pad,), jnp.float32),
            pltpu.VMEM((N_pad,), jnp.float32),
            pltpu.VMEM((ACC,), jnp.float32),
            pltpu.VMEM((2, L_al), jnp.int32),
            pltpu.VMEM((L_al,), jnp.float32),
            pltpu.VMEM((64,), jnp.float32),
        ],
    )
    def ker(xcat_hbm, ei_hbm, attr_hbm, par_hbm, out_hbm,
            xl0_v, xl1_v, xr0_v, xr1_v, acc_v, ei_v, attr_v, par_v):
        cid = lax.axis_index("c")
        sid = lax.axis_index("s")
        wid = sid * NC + cid
        base = wid * E_pw
        start = jnp.minimum((base // 128) * 128, E - L_al)
        delta = base - start
        pltpu.sync_copy(xcat_hbm.at[0], xl0_v)
        pltpu.sync_copy(xcat_hbm.at[1], xl1_v)
        pltpu.sync_copy(xcat_hbm.at[2], xr0_v)
        pltpu.sync_copy(xcat_hbm.at[3], xr1_v)
        pltpu.sync_copy(ei_hbm.at[:, pl.ds(start, L_al)], ei_v)
        pltpu.sync_copy(attr_hbm.at[0, pl.ds(start, L_al)], attr_v)
        pltpu.sync_copy(par_hbm, par_v)
        we0 = par_v[pl.ds(0, _L)]
        we1 = par_v[pl.ds(_L, _L)]
        att0 = par_v[pl.ds(2 * _L, _L)]
        att1 = par_v[pl.ds(3 * _L, _L)]

        @plsc.parallel_loop(0, ACC, _L, unroll=8)
        def zero_body(off):
            acc_v[pl.ds(off, _L)] = jnp.zeros((_L,), jnp.float32)

        @plsc.parallel_loop(0, E_pw, _L, unroll=4)
        def edge_body(off):
            sl = pl.ds(delta + off, _L)
            s = ei_v[0, sl]
            d = ei_v[1, sl]
            attr_e = attr_v[sl]
            xl0 = plsc.load_gather(xl0_v, [s])
            xl1 = plsc.load_gather(xl1_v, [s])
            xr0 = plsc.load_gather(xr0_v, [d])
            xr1 = plsc.load_gather(xr1_v, [d])
            m0 = xl0 + xr0 + attr_e * we0
            m1 = xl1 + xr1 + attr_e * we1
            l0 = jnp.where(m0 >= 0.0, m0, m0 * 0.2)
            l1 = jnp.where(m1 >= 0.0, m1, m1 * 0.2)
            ex = jnp.exp(l0 * att0 + l1 * att1)
            plsc.addupdate_scatter(acc_v, [d], ex * xl0)
            plsc.addupdate_scatter(acc_v, [d + N_pad], ex * xl1)
            plsc.addupdate_scatter(acc_v, [d + 2 * N_pad], ex)

        pltpu.sync_copy(acc_v, out_hbm.at[wid])

    return ker(xcat, edge_index, edge_attr.T, par)


def _finalize_call(partials, bias_b, N_pad, NW):
    R = N_pad // 128

    def body(p_ref, b_ref, o0_ref, o1_ref):
        acc = jnp.sum(p_ref[...], axis=0)
        den = acc[2] + 1e-16
        o0_ref[...] = acc[0] / den + b_ref[0:1, :]
        o1_ref[...] = acc[1] / den + b_ref[1:2, :]

    return pl.pallas_call(
        body,
        out_shape=(
            jax.ShapeDtypeStruct((R, 128), jnp.float32),
            jax.ShapeDtypeStruct((R, 128), jnp.float32),
        ),
    )(partials, bias_b)


def kernel(x, edge_index, edge_attr, W_l, b_l, W_r, b_r, W_e, att, bias):
    N, D = x.shape
    E = edge_index.shape[1]
    info = plsc.get_sparse_core_info()
    NC, NS = info.num_cores, info.num_subcores
    NW = NC * NS

    N_pad = ((N + 1 + 255) // 256) * 256
    xcat = _matmul_call(x, W_l, b_l, W_r, b_r, N_pad)

    chunk = NW * _L
    E_pad = ((E + chunk - 1) // chunk) * chunk
    if E_pad != E:
        pad_n = E_pad - E
        edge_index = jnp.pad(edge_index, ((0, 0), (0, pad_n)), constant_values=N)
        edge_attr = jnp.pad(edge_attr, ((0, pad_n), (0, 0)))

    par = jnp.concatenate([
        jnp.full((_L,), W_e[0, 0], jnp.float32),
        jnp.full((_L,), W_e[0, 1], jnp.float32),
        jnp.full((_L,), att[0], jnp.float32),
        jnp.full((_L,), att[1], jnp.float32),
    ])

    partials = _edge_call(xcat, edge_index, edge_attr, par, N_pad, NC, NS)
    bias_b = jnp.broadcast_to(bias[:, None], (2, 128))
    out0, out1 = _finalize_call(
        partials.reshape(NW, 3, N_pad // 128, 128), bias_b, N_pad, NW
    )
    return jnp.stack([out0.reshape(-1), out1.reshape(-1)], axis=-1)[:N]

# --- scband reference (transcript-rebuilt; emitter-appended) ---
"""Pipeline reference for scband-gat-57294863728941 (READ-ONLY COPY).

The authoritative reference and input builder live on the scoring server;
editing this copy changes nothing except your own understanding.
"""

import jax, jax.numpy as jnp
import numpy as np

N = 10000
E = 320000
D = 128
C = 2  # out_channels, heads=1

def setup_inputs(seed: int = 0) -> dict:
    key = jax.random.key(seed)
    ks = jax.random.split(key, 10)
    x = jax.random.normal(ks[0], (N, D), dtype=jnp.float32)
    edge_index = jax.random.randint(ks[1], (2, E), 0, N, dtype=jnp.int32)
    edge_attr = jax.random.normal(ks[2], (E, 1), dtype=jnp.float32)
    # GATv2Conv parameters (heads=1, out_channels=2, edge_dim=1, share_weights=False)
    s = 1.0 / np.sqrt(D)
    W_l = jax.random.normal(ks[3], (D, C), dtype=jnp.float32) * s
    b_l = jnp.zeros((C,), dtype=jnp.float32)
    W_r = jax.random.normal(ks[4], (D, C), dtype=jnp.float32) * s
    b_r = jnp.zeros((C,), dtype=jnp.float32)
    W_e = jax.random.normal(ks[5], (1, C), dtype=jnp.float32)
    att = jax.random.normal(ks[6], (C,), dtype=jnp.float32)
    bias = jnp.zeros((C,), dtype=jnp.float32)
    return {"x": x, "edge_index": edge_index, "edge_attr": edge_attr,
            "W_l": W_l, "b_l": b_l, "W_r": W_r, "b_r": b_r,
            "W_e": W_e, "att": att, "bias": bias}

def reference(x, edge_index, edge_attr, W_l, b_l, W_r, b_r, W_e, att, bias):
    # GATv2Conv forward (heads=1, out_channels=2, edge_dim=1, add_self_loops=False)
    src = edge_index[0]  # message source j
    dst = edge_index[1]  # message target i (softmax groups)
    x_l = x @ W_l + b_l              # [N, C] source transform (also the message)
    x_r = x @ W_r + b_r              # [N, C] target transform
    e_feat = edge_attr @ W_e         # [E, C]
    m = x_l[src] + x_r[dst] + e_feat  # [E, C]
    score = jnp.sum(jax.nn.leaky_relu(m, negative_slope=0.2) * att, axis=-1)  # [E]
    smax = jax.ops.segment_max(score, dst, num_segments=N)
    ex = jnp.exp(score - smax[dst])
    denom = jax.ops.segment_sum(ex, dst, num_segments=N)
    alpha = ex / (denom[dst] + 1e-16)  # [E]
    out = jax.ops.segment_sum(alpha[:, None] * x_l[src], dst, num_segments=N)  # [N, C]
    return out + bias

if __name__ == "__main__":
    import jax
    _d = setup_inputs()
    print(jax.jit(kernel)(*tuple(_d.values())))

</pallas_src>

<mosaic_0001>
#map = affine_map<(d0, d1) -> (0, 0)>
#map1 = affine_map<(d0, d1) -> (0)>
module attributes {stable_mosaic.version = 14 : i64} {
  func.func @ker(%arg0: i32, %arg1: i32, %arg2: memref<4x10240xf32, #tpu.memory_space<hbm>>, %arg3: memref<2x320000xi32, #tpu.memory_space<hbm>>, %arg4: memref<1x320000xf32, #tpu.memory_space<hbm>>, %arg5: memref<64xf32, #tpu.memory_space<hbm>>, %arg6: memref<32x30720xf32, #tpu.memory_space<hbm>>, %arg7: memref<10240xf32, #tpu.memory_space<vmem>>, %arg8: memref<10240xf32, #tpu.memory_space<vmem>>, %arg9: memref<10240xf32, #tpu.memory_space<vmem>>, %arg10: memref<10240xf32, #tpu.memory_space<vmem>>, %arg11: memref<30720xf32, #tpu.memory_space<vmem>>, %arg12: memref<2x10240xi32, #tpu.memory_space<vmem>>, %arg13: memref<10240xf32, #tpu.memory_space<vmem>>, %arg14: memref<64xf32, #tpu.memory_space<vmem>>) attributes {dimension_semantics = [#tpu.dimension_semantics<core_parallel>, #tpu.dimension_semantics<subcore_parallel>], iteration_bounds = array<i64: 2, 16>, scalar_prefetch = 0 : i64, scratch_operands = 8 : i64, tpu.core_type = #tpu.core_type<sc_vector_subcore>, window_params = [{transform_indices = #map}, {transform_indices = #map}, {transform_indices = #map}, {transform_indices = #map1}, {transform_indices = #map}]} {
    %mul3A = arith.constant 2 : i32
    %mul3A_0 = arith.muli %arg1, %mul3A : i32
    %add3A = arith.addi %mul3A_0, %arg0 : i32
    %mul3A_1 = arith.constant 10000 : i32
    %mul3A_2 = arith.muli %add3A, %mul3A_1 : i32
    %jit3A = arith.constant 128 : i32
    %div3A = arith.divsi %mul3A_2, %jit3A : i32
    %sign3A = arith.constant 0 : i32
    %sign3A_3 = arith.cmpi sgt, %mul3A_2, %sign3A : i32
    %sign3A_4 = arith.extui %sign3A_3 : i1 to i32
    %sign3A_5 = arith.constant 0 : i32
    %sign3A_6 = arith.cmpi slt, %mul3A_2, %sign3A_5 : i32
    %sign3A_7 = arith.extui %sign3A_6 : i1 to i32
    %sign3A_8 = arith.subi %sign3A_4, %sign3A_7 : i32
    %sign3A_9 = arith.constant 0 : i32
    %sign3A_10 = arith.cmpi sgt, %jit3A, %sign3A_9 : i32
    %sign3A_11 = arith.extui %sign3A_10 : i1 to i32
    %sign3A_12 = arith.constant 0 : i32
    %sign3A_13 = arith.cmpi slt, %jit3A, %sign3A_12 : i32
    %sign3A_14 = arith.extui %sign3A_13 : i1 to i32
    %sign3A_15 = arith.subi %sign3A_11, %sign3A_14 : i32
    %ne3A = arith.cmpi ne, %sign3A_8, %sign3A_15 : i32
    %rem3A = arith.remsi %mul3A_2, %jit3A : i32
    %ne3A_16 = arith.constant 0 : i32
    %ne3A_17 = arith.cmpi ne, %rem3A, %ne3A_16 : i32
    %and3A = arith.andi %ne3A, %ne3A_17 : i1
    %sub3A = arith.constant 1 : i32
    %sub3A_18 = arith.subi %div3A, %sub3A : i32
    %select_n3A = arith.select %and3A, %sub3A_18, %div3A : i32
    %mul3A_19 = arith.constant 128 : i32
    %mul3A_20 = arith.muli %select_n3A, %mul3A_19 : i32
    %min3A = arith.constant 309760 : i32
    %min3A_21 = arith.minsi %mul3A_20, %min3A : i32
    %sub3A_22 = arith.subi %mul3A_2, %min3A_21 : i32
    %run_scoped3A = arith.constant 0 : i32
    "tpu.region"() ({
      %run_scoped3A_39 = tpu.sem_alloc : memref<!tpu.dma_semaphore, #tpu.memory_space<semaphore_mem>>
      %dma_start3A = arith.constant 0 : i32
      %dma_start3A_40 = tpu.memref_slice %arg2[%run_scoped3A, %dma_start3A] : memref<4x10240xf32, #tpu.memory_space<hbm>> -> memref<1x10240xf32, #tpu.memory_space<hbm>>
      %dma_start3A_41 = tpu.memref_squeeze %dma_start3A_40 : memref<1x10240xf32, #tpu.memory_space<hbm>> -> memref<10240xf32, #tpu.memory_space<hbm>>
      %dma_start3A_42 = arith.constant 0 : i32
      %dma_start3A_43 = tpu.memref_slice %arg2[%run_scoped3A, %dma_start3A_42] : memref<4x10240xf32, #tpu.memory_space<hbm>> -> memref<1x10240xf32, #tpu.memory_space<hbm>>
      %dma_start3A_44 = tpu.memref_squeeze %dma_start3A_43 : memref<1x10240xf32, #tpu.memory_space<hbm>> -> memref<10240xf32, #tpu.memory_space<hbm>>
      tpu.enqueue_dma source(%dma_start3A_44 : memref<10240xf32, #tpu.memory_space<hbm>>) target(%arg7 : memref<10240xf32, #tpu.memory_space<vmem>>) target_semaphore(%run_scoped3A_39 : memref<!tpu.dma_semaphore, #tpu.memory_space<semaphore_mem>>)
      %dma_wait3A = arith.constant 0 : i32
      %dma_wait3A_45 = tpu.memref_slice %arg2[%run_scoped3A, %dma_wait3A] : memref<4x10240xf32, #tpu.memory_space<hbm>> -> memref<1x10240xf32, #tpu.memory_space<hbm>>
      %dma_wait3A_46 = tpu.memref_squeeze %dma_wait3A_45 : memref<1x10240xf32, #tpu.memory_space<hbm>> -> memref<10240xf32, #tpu.memory_space<hbm>>
      %dma_wait3A_47 = arith.constant 0 : i32
      %dma_wait3A_48 = tpu.memref_slice %arg2[%run_scoped3A, %dma_wait3A_47] : memref<4x10240xf32, #tpu.memory_space<hbm>> -> memref<1x10240xf32, #tpu.memory_space<hbm>>
      %dma_wait3A_49 = tpu.memref_squeeze %dma_wait3A_48 : memref<1x10240xf32, #tpu.memory_space<hbm>> -> memref<10240xf32, #tpu.memory_space<hbm>>
      tpu.wait_dma2 semaphore(%run_scoped3A_39 : memref<!tpu.dma_semaphore, #tpu.memory_space<semaphore_mem>>) src(%dma_wait3A_49 : memref<10240xf32, #tpu.memory_space<hbm>>) dst(%arg7 : memref<10240xf32, #tpu.memory_space<vmem>>)
      tpu.yield
    }) : () -> ()
    %run_scoped3A_23 = arith.constant 1 : i32
    "tpu.region"() ({
      %run_scoped3A_39 = tpu.sem_alloc : memref<!tpu.dma_semaphore, #tpu.memory_space<semaphore_mem>>
      %dma_start3A = arith.constant 0 : i32
      %dma_start3A_40 = tpu.memref_slice %arg2[%run_scoped3A_23, %dma_start3A] : memref<4x10240xf32, #tpu.memory_space<hbm>> -> memref<1x10240xf32, #tpu.memory_space<hbm>>
      %dma_start3A_41 = tpu.memref_squeeze %dma_start3A_40 : memref<1x10240xf32, #tpu.memory_space<hbm>> -> memref<10240xf32, #tpu.memory_space<hbm>>
      %dma_start3A_42 = arith.constant 0 : i32
      %dma_start3A_43 = tpu.memref_slice %arg2[%run_scoped3A_23, %dma_start3A_42] : memref<4x10240xf32, #tpu.memory_space<hbm>> -> memref<1x10240xf32, #tpu.memory_space<hbm>>
      %dma_start3A_44 = tpu.memref_squeeze %dma_start3A_43 : memref<1x10240xf32, #tpu.memory_space<hbm>> -> memref<10240xf32, #tpu.memory_space<hbm>>
      tpu.enqueue_dma source(%dma_start3A_44 : memref<10240xf32, #tpu.memory_space<hbm>>) target(%arg8 : memref<10240xf32, #tpu.memory_space<vmem>>) target_semaphore(%run_scoped3A_39 : memref<!tpu.dma_semaphore, #tpu.memory_space<semaphore_mem>>)
      %dma_wait3A = arith.constant 0 : i32
      %dma_wait3A_45 = tpu.memref_slice %arg2[%run_scoped3A_23, %dma_wait3A] : memref<4x10240xf32, #tpu.memory_space<hbm>> -> memref<1x10240xf32, #tpu.memory_space<hbm>>
      %dma_wait3A_46 = tpu.memref_squeeze %dma_wait3A_45 : memref<1x10240xf32, #tpu.memory_space<hbm>> -> memref<10240xf32, #tpu.memory_space<hbm>>
      %dma_wait3A_47 = arith.constant 0 : i32
      %dma_wait3A_48 = tpu.memref_slice %arg2[%run_scoped3A_23, %dma_wait3A_47] : memref<4x10240xf32, #tpu.memory_space<hbm>> -> memref<1x10240xf32, #tpu.memory_space<hbm>>
      %dma_wait3A_49 = tpu.memref_squeeze %dma_wait3A_48 : memref<1x10240xf32, #tpu.memory_space<hbm>> -> memref<10240xf32, #tpu.memory_space<hbm>>
      tpu.wait_dma2 semaphore(%run_scoped3A_39 : memref<!tpu.dma_semaphore, #tpu.memory_space<semaphore_mem>>) src(%dma_wait3A_49 : memref<10240xf32, #tpu.memory_space<hbm>>) dst(%arg8 : memref<10240xf32, #tpu.memory_space<vmem>>)
      tpu.yield
    }) : () -> ()
    %run_scoped3A_24 = arith.constant 2 : i32
    "tpu.region"() ({
      %run_scoped3A_39 = tpu.sem_alloc : memref<!tpu.dma_semaphore, #tpu.memory_space<semaphore_mem>>
      %dma_start3A = arith.constant 0 : i32
      %dma_start3A_40 = tpu.memref_slice %arg2[%run_scoped3A_24, %dma_start3A] : memref<4x10240xf32, #tpu.memory_space<hbm>> -> memref<1x10240xf32, #tpu.memory_space<hbm>>
      %dma_start3A_41 = tpu.memref_squeeze %dma_start3A_40 : memref<1x10240xf32, #tpu.memory_space<hbm>> -> memref<10240xf32, #tpu.memory_space<hbm>>
      %dma_start3A_42 = arith.constant 0 : i32
      %dma_start3A_43 = tpu.memref_slice %arg2[%run_scoped3A_24, %dma_start3A_42] : memref<4x10240xf32, #tpu.memory_space<hbm>> -> memref<1x10240xf32, #tpu.memory_space<hbm>>
      %dma_start3A_44 = tpu.memref_squeeze %dma_start3A_43 : memref<1x10240xf32, #tpu.memory_space<hbm>> -> memref<10240xf32, #tpu.memory_space<hbm>>
      tpu.enqueue_dma source(%dma_start3A_44 : memref<10240xf32, #tpu.memory_space<hbm>>) target(%arg9 : memref<10240xf32, #tpu.memory_space<vmem>>) target_semaphore(%run_scoped3A_39 : memref<!tpu.dma_semaphore, #tpu.memory_space<semaphore_mem>>)
      %dma_wait3A = arith.constant 0 : i32
      %dma_wait3A_45 = tpu.memref_slice %arg2[%run_scoped3A_24, %dma_wait3A] : memref<4x10240xf32, #tpu.memory_space<hbm>> -> memref<1x10240xf32, #tpu.memory_space<hbm>>
      %dma_wait3A_46 = tpu.memref_squeeze %dma_wait3A_45 : memref<1x10240xf32, #tpu.memory_space<hbm>> -> memref<10240xf32, #tpu.memory_space<hbm>>
      %dma_wait3A_47 = arith.constant 0 : i32
      %dma_wait3A_48 = tpu.memref_slice %arg2[%run_scoped3A_24, %dma_wait3A_47] : memref<4x10240xf32, #tpu.memory_space<hbm>> -> memref<1x10240xf32, #tpu.memory_space<hbm>>
      %dma_wait3A_49 = tpu.memref_squeeze %dma_wait3A_48 : memref<1x10240xf32, #tpu.memory_space<hbm>> -> memref<10240xf32, #tpu.memory_space<hbm>>
      tpu.wait_dma2 semaphore(%run_scoped3A_39 : memref<!tpu.dma_semaphore, #tpu.memory_space<semaphore_mem>>) src(%dma_wait3A_49 : memref<10240xf32, #tpu.memory_space<hbm>>) dst(%arg9 : memref<10240xf32, #tpu.memory_space<vmem>>)
      tpu.yield
    }) : () -> ()
    %run_scoped3A_25 = arith.constant 3 : i32
    "tpu.region"() ({
      %run_scoped3A_39 = tpu.sem_alloc : memref<!tpu.dma_semaphore, #tpu.memory_space<semaphore_mem>>
      %dma_start3A = arith.constant 0 : i32
      %dma_start3A_40 = tpu.memref_slice %arg2[%run_scoped3A_25, %dma_start3A] : memref<4x10240xf32, #tpu.memory_space<hbm>> -> memref<1x10240xf32, #tpu.memory_space<hbm>>
      %dma_start3A_41 = tpu.memref_squeeze %dma_start3A_40 : memref<1x10240xf32, #tpu.memory_space<hbm>> -> memref<10240xf32, #tpu.memory_space<hbm>>
      %dma_start3A_42 = arith.constant 0 : i32
      %dma_start3A_43 = tpu.memref_slice %arg2[%run_scoped3A_25, %dma_start3A_42] : memref<4x10240xf32, #tpu.memory_space<hbm>> -> memref<1x10240xf32, #tpu.memory_space<hbm>>
      %dma_start3A_44 = tpu.memref_squeeze %dma_start3A_43 : memref<1x10240xf32, #tpu.memory_space<hbm>> -> memref<10240xf32, #tpu.memory_space<hbm>>
      tpu.enqueue_dma source(%dma_start3A_44 : memref<10240xf32, #tpu.memory_space<hbm>>) target(%arg10 : memref<10240xf32, #tpu.memory_space<vmem>>) target_semaphore(%run_scoped3A_39 : memref<!tpu.dma_semaphore, #tpu.memory_space<semaphore_mem>>)
      %dma_wait3A = arith.constant 0 : i32
      %dma_wait3A_45 = tpu.memref_slice %arg2[%run_scoped3A_25, %dma_wait3A] : memref<4x10240xf32, #tpu.memory_space<hbm>> -> memref<1x10240xf32, #tpu.memory_space<hbm>>
      %dma_wait3A_46 = tpu.memref_squeeze %dma_wait3A_45 : memref<1x10240xf32, #tpu.memory_space<hbm>> -> memref<10240xf32, #tpu.memory_space<hbm>>
      %dma_wait3A_47 = arith.constant 0 : i32
      %dma_wait3A_48 = tpu.memref_slice %arg2[%run_scoped3A_25, %dma_wait3A_47] : memref<4x10240xf32, #tpu.memory_space<hbm>> -> memref<1x10240xf32, #tpu.memory_space<hbm>>
      %dma_wait3A_49 = tpu.memref_squeeze %dma_wait3A_48 : memref<1x10240xf32, #tpu.memory_space<hbm>> -> memref<10240xf32, #tpu.memory_space<hbm>>
      tpu.wait_dma2 semaphore(%run_scoped3A_39 : memref<!tpu.dma_semaphore, #tpu.memory_space<semaphore_mem>>) src(%dma_wait3A_49 : memref<10240xf32, #tpu.memory_space<hbm>>) dst(%arg10 : memref<10240xf32, #tpu.memory_space<vmem>>)
      tpu.yield
    }) : () -> ()
    "tpu.region"() ({
      %run_scoped3A_39 = tpu.sem_alloc : memref<!tpu.dma_semaphore, #tpu.memory_space<semaphore_mem>>
      %dma_start3A = arith.constant 0 : i32
      %dma_start3A_40 = tpu.memref_slice %arg3[%dma_start3A, %min3A_21] : memref<2x320000xi32, #tpu.memory_space<hbm>> -> memref<2x10240xi32, #tpu.memory_space<hbm>>
      %dma_start3A_41 = arith.constant 0 : i32
      %dma_start3A_42 = tpu.memref_slice %arg3[%dma_start3A_41, %min3A_21] : memref<2x320000xi32, #tpu.memory_space<hbm>> -> memref<2x10240xi32, #tpu.memory_space<hbm>>
      tpu.enqueue_dma source(%dma_start3A_42 : memref<2x10240xi32, #tpu.memory_space<hbm>>) target(%arg12 : memref<2x10240xi32, #tpu.memory_space<vmem>>) target_semaphore(%run_scoped3A_39 : memref<!tpu.dma_semaphore, #tpu.memory_space<semaphore_mem>>)
      %dma_wait3A = arith.constant 0 : i32
      %dma_wait3A_43 = tpu.memref_slice %arg3[%dma_wait3A, %min3A_21] : memref<2x320000xi32, #tpu.memory_space<hbm>> -> memref<2x10240xi32, #tpu.memory_space<hbm>>
      %dma_wait3A_44 = arith.constant 0 : i32
      %dma_wait3A_45 = tpu.memref_slice %arg3[%dma_wait3A_44, %min3A_21] : memref<2x320000xi32, #tpu.memory_space<hbm>> -> memref<2x10240xi32, #tpu.memory_space<hbm>>
      tpu.wait_dma2 semaphore(%run_scoped3A_39 : memref<!tpu.dma_semaphore, #tpu.memory_space<semaphore_mem>>) src(%dma_wait3A_45 : memref<2x10240xi32, #tpu.memory_space<hbm>>) dst(%arg12 : memref<2x10240xi32, #tpu.memory_space<vmem>>)
      tpu.yield
    }) : () -> ()
    %run_scoped3A_26 = arith.constant 0 : i32
    "tpu.region"() ({
      %run_scoped3A_39 = tpu.sem_alloc : memref<!tpu.dma_semaphore, #tpu.memory_space<semaphore_mem>>
      %dma_start3A = tpu.memref_slice %arg4[%run_scoped3A_26, %min3A_21] : memref<1x320000xf32, #tpu.memory_space<hbm>> -> memref<1x10240xf32, #tpu.memory_space<hbm>>
      %dma_start3A_40 = tpu.memref_squeeze %dma_start3A : memref<1x10240xf32, #tpu.memory_space<hbm>> -> memref<10240xf32, #tpu.memory_space<hbm>>
      %dma_start3A_41 = tpu.memref_slice %arg4[%run_scoped3A_26, %min3A_21] : memref<1x320000xf32, #tpu.memory_space<hbm>> -> memref<1x10240xf32, #tpu.memory_space<hbm>>
      %dma_start3A_42 = tpu.memref_squeeze %dma_start3A_41 : memref<1x10240xf32, #tpu.memory_space<hbm>> -> memref<10240xf32, #tpu.memory_space<hbm>>
      tpu.enqueue_dma source(%dma_start3A_42 : memref<10240xf32, #tpu.memory_space<hbm>>) target(%arg13 : memref<10240xf32, #tpu.memory_space<vmem>>) target_semaphore(%run_scoped3A_39 : memref<!tpu.dma_semaphore, #tpu.memory_space<semaphore_mem>>)
      %dma_wait3A = tpu.memref_slice %arg4[%run_scoped3A_26, %min3A_21] : memref<1x320000xf32, #tpu.memory_space<hbm>> -> memref<1x10240xf32, #tpu.memory_space<hbm>>
      %dma_wait3A_43 = tpu.memref_squeeze %dma_wait3A : memref<1x10240xf32, #tpu.memory_space<hbm>> -> memref<10240xf32, #tpu.memory_space<hbm>>
      %dma_wait3A_44 = tpu.memref_slice %arg4[%run_scoped3A_26, %min3A_21] : memref<1x320000xf32, #tpu.memory_space<hbm>> -> memref<1x10240xf32, #tpu.memory_space<hbm>>
      %dma_wait3A_45 = tpu.memref_squeeze %dma_wait3A_44 : memref<1x10240xf32, #tpu.memory_space<hbm>> -> memref<10240xf32, #tpu.memory_space<hbm>>
      tpu.wait_dma2 semaphore(%run_scoped3A_39 : memref<!tpu.dma_semaphore, #tpu.memory_space<semaphore_mem>>) src(%dma_wait3A_45 : memref<10240xf32, #tpu.memory_space<hbm>>) dst(%arg13 : memref<10240xf32, #tpu.memory_space<vmem>>)
      tpu.yield
    }) : () -> ()
    "tpu.region"() ({
      %run_scoped3A_39 = tpu.sem_alloc : memref<!tpu.dma_semaphore, #tpu.memory_space<semaphore_mem>>
      tpu.enqueue_dma source(%arg5 : memref<64xf32, #tpu.memory_space<hbm>>) target(%arg14 : memref<64xf32, #tpu.memory_space<vmem>>) target_semaphore(%run_scoped3A_39 : memref<!tpu.dma_semaphore, #tpu.memory_space<semaphore_mem>>)
      tpu.wait_dma2 semaphore(%run_scoped3A_39 : memref<!tpu.dma_semaphore, #tpu.memory_space<semaphore_mem>>) src(%arg5 : memref<64xf32, #tpu.memory_space<hbm>>) dst(%arg14 : memref<64xf32, #tpu.memory_space<vmem>>)
      tpu.yield
    }) : () -> ()
    %get3A = arith.constant 0 : index
    %get3A_27 = tpu.vector_load %arg14[%get3A] {strides = array<i32>} : memref<64xf32, #tpu.memory_space<vmem>>, vector<16xf32>,
    %get3A_28 = arith.constant 16 : index
    %get3A_29 = tpu.vector_load %arg14[%get3A_28] {strides = array<i32>} : memref<64xf32, #tpu.memory_space<vmem>>, vector<16xf32>,
    %get3A_30 = arith.constant 32 : index
    %get3A_31 = tpu.vector_load %arg14[%get3A_30] {strides = array<i32>} : memref<64xf32, #tpu.memory_space<vmem>>, vector<16xf32>,
    %get3A_32 = arith.constant 48 : index
    %get3A_33 = tpu.vector_load %arg14[%get3A_32] {strides = array<i32>} : memref<64xf32, #tpu.memory_space<vmem>>, vector<16xf32>,
    %parallel_loop3A = arith.constant 0 : i32
    %parallel_loop3A_34 = arith.constant 30720 : i32
    %parallel_loop3A_35 = arith.constant 16 : i32
    scf.for %parallel_loop3A_39 = %parallel_loop3A to %parallel_loop3A_34 step %parallel_loop3A_35  : i32 {
      %parallel_loop3A_40 = arith.constant 0.000000e+00 : f32
      %parallel_loop3A_41 = vector.broadcast %parallel_loop3A_40 : f32 to vector<16xf32>
      %parallel_loop3A_42 = arith.index_cast %parallel_loop3A_39 : i32 to index
      %parallel_loop3A_43 = tpu.vector_load %arg11[%parallel_loop3A_42] {strides = array<i32>} : memref<30720xf32, #tpu.memory_space<vmem>>, vector<16xf32>,
      tpu.vector_store %arg11[%parallel_loop3A_42], %parallel_loop3A_41 {strides = array<i32>} : memref<30720xf32, #tpu.memory_space<vmem>>, vector<16xf32>,
    } {sc.loop_unroll_factor = 8 : i64, sc.parallel_access}
    %parallel_loop3A_36 = arith.constant 0 : i32
    %parallel_loop3A_37 = arith.constant 10000 : i32
    %parallel_loop3A_38 = arith.constant 16 : i32
    scf.for %parallel_loop3A_39 = %parallel_loop3A_36 to %parallel_loop3A_37 step %parallel_loop3A_38  : i32 {
      %parallel_loop3A_40 = arith.addi %sub3A_22, %parallel_loop3A_39 : i32
      %parallel_loop3A_41 = arith.constant 0 : i32
      %parallel_loop3A_42 = arith.index_cast %parallel_loop3A_41 : i32 to index
      %parallel_loop3A_43 = arith.index_cast %parallel_loop3A_40 : i32 to index
      %parallel_loop3A_44 = tpu.vector_load %arg12[%parallel_loop3A_42, %parallel_loop3A_43] {strides = array<i32>} : memref<2x10240xi32, #tpu.memory_space<vmem>>, vector<16xi32>,
      %parallel_loop3A_45 = arith.constant 1 : i32
      %parallel_loop3A_46 = arith.index_cast %parallel_loop3A_45 : i32 to index
      %parallel_loop3A_47 = arith.index_cast %parallel_loop3A_40 : i32 to index
      %parallel_loop3A_48 = tpu.vector_load %arg12[%parallel_loop3A_46, %parallel_loop3A_47] {strides = array<i32>} : memref<2x10240xi32, #tpu.memory_space<vmem>>, vector<16xi32>,
      %parallel_loop3A_49 = arith.index_cast %parallel_loop3A_40 : i32 to index
      %parallel_loop3A_50 = tpu.vector_load %arg13[%parallel_loop3A_49] {strides = array<i32>} : memref<10240xf32, #tpu.memory_space<vmem>>, vector<16xf32>,
      %parallel_loop3A_51 = tpu.vector_load_idx %arg7[%parallel_loop3A_44] : memref<10240xf32, #tpu.memory_space<vmem>>[vector<16xi32>], vector<16xf32>,
      %parallel_loop3A_52 = tpu.vector_load_idx %arg8[%parallel_loop3A_44] : memref<10240xf32, #tpu.memory_space<vmem>>[vector<16xi32>], vector<16xf32>,
      %parallel_loop3A_53 = tpu.vector_load_idx %arg9[%parallel_loop3A_48] : memref<10240xf32, #tpu.memory_space<vmem>>[vector<16xi32>], vector<16xf32>,
      %parallel_loop3A_54 = tpu.vector_load_idx %arg10[%parallel_loop3A_48] : memref<10240xf32, #tpu.memory_space<vmem>>[vector<16xi32>], vector<16xf32>,
      %parallel_loop3A_55 = arith.addf %parallel_loop3A_51, %parallel_loop3A_53 : vector<16xf32>
      %parallel_loop3A_56 = arith.mulf %parallel_loop3A_50, %get3A_27 : vector<16xf32>
      %parallel_loop3A_57 = arith.addf %parallel_loop3A_55, %parallel_loop3A_56 : vector<16xf32>
      %parallel_loop3A_58 = arith.addf %parallel_loop3A_52, %parallel_loop3A_54 : vector<16xf32>
      %parallel_loop3A_59 = arith.mulf %parallel_loop3A_50, %get3A_29 : vector<16xf32>
      %parallel_loop3A_60 = arith.addf %parallel_loop3A_58, %parallel_loop3A_59 : vector<16xf32>
      %parallel_loop3A_61 = arith.constant 0.000000e+00 : f32
      %parallel_loop3A_62 = vector.broadcast %parallel_loop3A_61 : f32 to vector<16xf32>
      %parallel_loop3A_63 = arith.cmpf oge, %parallel_loop3A_57, %parallel_loop3A_62 : vector<16xf32>
      %parallel_loop3A_64 = arith.constant 2.000000e-01 : f32
      %parallel_loop3A_65 = vector.broadcast %parallel_loop3A_64 : f32 to vector<16xf32>
      %parallel_loop3A_66 = arith.mulf %parallel_loop3A_57, %parallel_loop3A_65 : vector<16xf32>
      %parallel_loop3A_67 = arith.select %parallel_loop3A_63, %parallel_loop3A_57, %parallel_loop3A_66 : vector<16xi1>, vector<16xf32>
      %parallel_loop3A_68 = arith.constant 0.000000e+00 : f32
      %parallel_loop3A_69 = vector.broadcast %parallel_loop3A_68 : f32 to vector<16xf32>
      %parallel_loop3A_70 = arith.cmpf oge, %parallel_loop3A_60, %parallel_loop3A_69 : vector<16xf32>
      %parallel_loop3A_71 = arith.constant 2.000000e-01 : f32
      %parallel_loop3A_72 = vector.broadcast %parallel_loop3A_71 : f32 to vector<16xf32>
      %parallel_loop3A_73 = arith.mulf %parallel_loop3A_60, %parallel_loop3A_72 : vector<16xf32>
      %parallel_loop3A_74 = arith.select %parallel_loop3A_70, %parallel_loop3A_60, %parallel_loop3A_73 : vector<16xi1>, vector<16xf32>
      %parallel_loop3A_75 = arith.mulf %parallel_loop3A_67, %get3A_31 : vector<16xf32>
      %parallel_loop3A_76 = arith.mulf %parallel_loop3A_74, %get3A_33 : vector<16xf32>
      %parallel_loop3A_77 = arith.addf %parallel_loop3A_75, %parallel_loop3A_76 : vector<16xf32>
      %parallel_loop3A_78 = math.exp %parallel_loop3A_77 : vector<16xf32>
      %parallel_loop3A_79 = arith.mulf %parallel_loop3A_78, %parallel_loop3A_51 : vector<16xf32>
      tpu.vector_store_idx %arg11[%parallel_loop3A_48], %parallel_loop3A_79 {add = true} : memref<30720xf32, #tpu.memory_space<vmem>>[vector<16xi32>], vector<16xf32>,
      %parallel_loop3A_80 = arith.constant 10240 : i32
      %parallel_loop3A_81 = vector.broadcast %parallel_loop3A_80 : i32 to vector<16xi32>
      %parallel_loop3A_82 = arith.addi %parallel_loop3A_48, %parallel_loop3A_81 : vector<16xi32>
      %parallel_loop3A_83 = arith.mulf %parallel_loop3A_78, %parallel_loop3A_52 : vector<16xf32>
      tpu.vector_store_idx %arg11[%parallel_loop3A_82], %parallel_loop3A_83 {add = true} : memref<30720xf32, #tpu.memory_space<vmem>>[vector<16xi32>], vector<16xf32>,
      %parallel_loop3A_84 = arith.constant 20480 : i32
      %parallel_loop3A_85 = vector.broadcast %parallel_loop3A_84 : i32 to vector<16xi32>
      %parallel_loop3A_86 = arith.addi %parallel_loop3A_48, %parallel_loop3A_85 : vector<16xi32>
      tpu.vector_store_idx %arg11[%parallel_loop3A_86], %parallel_loop3A_78 {add = true} : memref<30720xf32, #tpu.memory_space<vmem>>[vector<16xi32>], vector<16xf32>,
    } {sc.loop_unroll_factor = 4 : i64, sc.parallel_access}
    "tpu.region"() ({
      %run_scoped3A_39 = tpu.sem_alloc : memref<!tpu.dma_semaphore, #tpu.memory_space<semaphore_mem>>
      %dma_start3A = arith.constant 0 : i32
      %dma_start3A_40 = tpu.memref_slice %arg6[%add3A, %dma_start3A] : memref<32x30720xf32, #tpu.memory_space<hbm>> -> memref<1x30720xf32, #tpu.memory_space<hbm>>
      %dma_start3A_41 = tpu.memref_squeeze %dma_start3A_40 : memref<1x30720xf32, #tpu.memory_space<hbm>> -> memref<30720xf32, #tpu.memory_space<hbm>>
      %dma_start3A_42 = arith.constant 0 : i32
      %dma_start3A_43 = tpu.memref_slice %arg6[%add3A, %dma_start3A_42] : memref<32x30720xf32, #tpu.memory_space<hbm>> -> memref<1x30720xf32, #tpu.memory_space<hbm>>
      %dma_start3A_44 = tpu.memref_squeeze %dma_start3A_43 : memref<1x30720xf32, #tpu.memory_space<hbm>> -> memref<30720xf32, #tpu.memory_space<hbm>>
      tpu.enqueue_dma source(%arg11 : memref<30720xf32, #tpu.memory_space<vmem>>) target(%dma_start3A_44 : memref<30720xf32, #tpu.memory_space<hbm>>) target_semaphore(%run_scoped3A_39 : memref<!tpu.dma_semaphore, #tpu.memory_space<semaphore_mem>>)
      %dma_wait3A = arith.constant 0 : i32
      %dma_wait3A_45 = tpu.memref_slice %arg6[%add3A, %dma_wait3A] : memref<32x30720xf32, #tpu.memory_space<hbm>> -> memref<1x30720xf32, #tpu.memory_space<hbm>>
      %dma_wait3A_46 = tpu.memref_squeeze %dma_wait3A_45 : memref<1x30720xf32, #tpu.memory_space<hbm>> -> memref<30720xf32, #tpu.memory_space<hbm>>
      %dma_wait3A_47 = arith.constant 0 : i32
      %dma_wait3A_48 = tpu.memref_slice %arg6[%add3A, %dma_wait3A_47] : memref<32x30720xf32, #tpu.memory_space<hbm>> -> memref<1x30720xf32, #tpu.memory_space<hbm>>
      %dma_wait3A_49 = tpu.memref_squeeze %dma_wait3A_48 : memref<1x30720xf32, #tpu.memory_space<hbm>> -> memref<30720xf32, #tpu.memory_space<hbm>>
      tpu.wait_dma2 semaphore(%run_scoped3A_39 : memref<!tpu.dma_semaphore, #tpu.memory_space<semaphore_mem>>) src(%arg11 : memref<30720xf32, #tpu.memory_space<vmem>>) dst(%dma_wait3A_49 : memref<30720xf32, #tpu.memory_space<hbm>>)
      tpu.yield
    }) : () -> ()
    return
  }
}

module attributes {stable_mosaic.version = 14 : i64} {
  func.func @body(%arg0: memref<10000x128xf32, #tpu.memory_space<vmem>>, %arg1: memref<128x2xf32, #tpu.memory_space<vmem>>, %arg2: memref<1x2xf32, #tpu.memory_space<vmem>>, %arg3: memref<128x2xf32, #tpu.memory_space<vmem>>, %arg4: memref<1x2xf32, #tpu.memory_space<vmem>>, %arg5: memref<4x10240xf32, #tpu.memory_space<vmem>>) attributes {dimension_semantics = [], scalar_prefetch = 0 : i64, scratch_operands = 0 : i64, tpu.core_type = #tpu.core_type<tc>} {
    %get3A = arith.constant 0 : index
    %get3A_0 = arith.constant 0 : index
    %get3A_1 = vector.load %arg1[%get3A, %get3A_0] : memref<128x2xf32, #tpu.memory_space<vmem>>, vector<128x2xf32>
    %get3A_2 = arith.constant 0 : index
    %get3A_3 = arith.constant 0 : index
    %get3A_4 = vector.load %arg3[%get3A_2, %get3A_3] : memref<128x2xf32, #tpu.memory_space<vmem>>, vector<128x2xf32>
    %concatenate3A = tpu.concatenate %get3A_1, %get3A_4 in 1 : vector<128x2xf32>, vector<128x2xf32> -> vector<128x4xf32>
    %get3A_5 = arith.constant 0 : index
    %get3A_6 = arith.constant 0 : index
    %get3A_7 = vector.load %arg2[%get3A_5, %get3A_6] : memref<1x2xf32, #tpu.memory_space<vmem>>, vector<1x2xf32>
    %get3A_8 = arith.constant 0 : index
    %get3A_9 = arith.constant 0 : index
    %get3A_10 = vector.load %arg4[%get3A_8, %get3A_9] : memref<1x2xf32, #tpu.memory_space<vmem>>, vector<1x2xf32>
    %concatenate3A_11 = tpu.concatenate %get3A_7, %get3A_10 in 1 : vector<1x2xf32>, vector<1x2xf32> -> vector<1x4xf32>
    %get3A_12 = arith.constant 0 : index
    %get3A_13 = arith.constant 0 : index
    %get3A_14 = vector.load %arg0[%get3A_12, %get3A_13] : memref<10000x128xf32, #tpu.memory_space<vmem>>, vector<10000x128xf32>
    %dot_general3A = arith.constant dense<0.000000e+00> : vector<4x10000xf32>
    %dot_general3A_15 = tpu.matmul %concatenate3A, %get3A_14, %dot_general3A {dimension_numbers = #tpu.dot_dimension_numbers<[0], [1], [1], [0], [0, 1, 1, 0], [], []>, transpose_lhs_hint = false} : vector<128x4xf32>, vector<10000x128xf32>, vector<4x10000xf32> -> vector<4x10000xf32>
    %transpose3A = tpu.transpose %concatenate3A_11, [1, 0] : vector<1x4xf32> -> vector<4x1xf32>
    %add3A = vector.broadcast %transpose3A : vector<4x1xf32> to vector<4x10000xf32>
    %add3A_16 = arith.addf %dot_general3A_15, %add3A : vector<4x10000xf32>
    %swap3A = arith.constant 0 : index
    %swap3A_17 = arith.constant 0 : index
    %swap3A_18 = vector.load %arg5[%swap3A, %swap3A_17] : memref<4x10240xf32, #tpu.memory_space<vmem>>, vector<4x10000xf32>
    tpu.vector_store %arg5[%swap3A, %swap3A_17], %add3A_16 {strides = array<i32>} : memref<4x10240xf32, #tpu.memory_space<vmem>>, vector<4x10000xf32>,
    %broadcast_in_dim3A = arith.constant 0.000000e+00 : f32
    %broadcast_in_dim3A_19 = vector.broadcast %broadcast_in_dim3A : f32 to vector<4x240xf32>
    %swap3A_20 = arith.constant 0 : index
    %swap3A_21 = arith.constant 10000 : index
    %swap3A_22 = vector.load %arg5[%swap3A_20, %swap3A_21] : memref<4x10240xf32, #tpu.memory_space<vmem>>, vector<4x240xf32>
    tpu.vector_store %arg5[%swap3A_20, %swap3A_21], %broadcast_in_dim3A_19 {strides = array<i32>} : memref<4x10240xf32, #tpu.memory_space<vmem>>, vector<4x240xf32>,
    return
  }
}

module attributes {stable_mosaic.version = 14 : i64} {
  func.func @body(%arg0: memref<32x3x80x128xf32, #tpu.memory_space<vmem>>, %arg1: memref<2x128xf32, #tpu.memory_space<vmem>>, %arg2: memref<80x128xf32, #tpu.memory_space<vmem>>, %arg3: memref<80x128xf32, #tpu.memory_space<vmem>>) attributes {dimension_semantics = [], scalar_prefetch = 0 : i64, scratch_operands = 0 : i64, tpu.core_type = #tpu.core_type<tc>} {
    %get3A = arith.constant 0 : index
    %get3A_0 = arith.constant 0 : index
    %get3A_1 = arith.constant 0 : index
    %get3A_2 = arith.constant 0 : index
    %get3A_3 = vector.load %arg0[%get3A, %get3A_0, %get3A_1, %get3A_2] : memref<32x3x80x128xf32, #tpu.memory_space<vmem>>, vector<32x3x80x128xf32>
    %reduce_sum3A = arith.constant dense<0.000000e+00> : vector<3x80x128xf32>
    %reduce_sum3A_4 = vector.multi_reduction <add>, %get3A_3, %reduce_sum3A [0] : vector<32x3x80x128xf32> to vector<3x80x128xf32>
    %slice3A = vector.extract_strided_slice %reduce_sum3A_4 {offsets = [2, 0, 0], sizes = [1, 80, 128], strides = [1, 1, 1]} : vector<3x80x128xf32> to vector<1x80x128xf32>
    %squeeze3A = vector.shape_cast %slice3A : vector<1x80x128xf32> to vector<80x128xf32>
    %add3A = arith.constant 1.000000e-16 : f32
    %add3A_5 = vector.broadcast %add3A : f32 to vector<80x128xf32>
    %add3A_6 = arith.addf %squeeze3A, %add3A_5 : vector<80x128xf32>
    %slice3A_7 = vector.extract_strided_slice %reduce_sum3A_4 {offsets = [0, 0, 0], sizes = [1, 80, 128], strides = [1, 1, 1]} : vector<3x80x128xf32> to vector<1x80x128xf32>
    %squeeze3A_8 = vector.shape_cast %slice3A_7 : vector<1x80x128xf32> to vector<80x128xf32>
    %div3A = arith.divf %squeeze3A_8, %add3A_6 : vector<80x128xf32>
    %get3A_9 = arith.constant 0 : index
    %get3A_10 = arith.constant 0 : index
    %get3A_11 = vector.load %arg1[%get3A_9, %get3A_10] : memref<2x128xf32, #tpu.memory_space<vmem>>, vector<1x128xf32>
    %add3A_12 = vector.broadcast %get3A_11 : vector<1x128xf32> to vector<80x128xf32>
    %add3A_13 = arith.addf %div3A, %add3A_12 : vector<80x128xf32>
    %swap3A = arith.constant 0 : index
    %swap3A_14 = arith.constant 0 : index
    %swap3A_15 = vector.load %arg2[%swap3A, %swap3A_14] : memref<80x128xf32, #tpu.memory_space<vmem>>, vector<80x128xf32>
    tpu.vector_store %arg2[%swap3A, %swap3A_14], %add3A_13 {strides = array<i32>} : memref<80x128xf32, #tpu.memory_space<vmem>>, vector<80x128xf32>,
    %slice3A_16 = vector.extract_strided_slice %reduce_sum3A_4 {offsets = [1, 0, 0], sizes = [1, 80, 128], strides = [1, 1, 1]} : vector<3x80x128xf32> to vector<1x80x128xf32>
    %squeeze3A_17 = vector.shape_cast %slice3A_16 : vector<1x80x128xf32> to vector<80x128xf32>
    %div3A_18 = arith.divf %squeeze3A_17, %add3A_6 : vector<80x128xf32>
    %get3A_19 = arith.constant 1 : index
    %get3A_20 = arith.constant 0 : index
    %get3A_21 = vector.load %arg1[%get3A_19, %get3A_20] : memref<2x128xf32, #tpu.memory_space<vmem>>, vector<1x128xf32>
    %add3A_22 = vector.broadcast %get3A_21 : vector<1x128xf32> to vector<80x128xf32>
    %add3A_23 = arith.addf %div3A_18, %add3A_22 : vector<80x128xf32>
    %swap3A_24 = arith.constant 0 : index
    %swap3A_25 = arith.constant 0 : index
    %swap3A_26 = vector.load %arg3[%swap3A_24, %swap3A_25] : memref<80x128xf32, #tpu.memory_space<vmem>>, vector<80x128xf32>
    tpu.vector_store %arg3[%swap3A_24, %swap3A_25], %add3A_23 {strides = array<i32>} : memref<80x128xf32, #tpu.memory_space<vmem>>, vector<80x128xf32>,
    return
  }
}

</mosaic_0001>

<sc_bundles>
// kernel: kernel.5.cloned.1.call-start
scs
__scs_entry_jumppad:
0x0: {  	(pc) =	sbr.rel $0x88, $3  }
0x1: {  	(tag) =	ssettag $0x0;
	lr =	simm.s32 $0x1  }
0x2: {  	[smem:$0x3F97] =	sst lr;
	_ =	strace $0xD0000000  }
0x3: {  	_ = 	snop  }
0x4: {  	_ = 	snop  }
0x5: {  	_ = 	snop  }
0x6: {  	_ = 	snop  }
0x7: {  	_ = 	snop  }
__scs_overlays_trampoline_lowered:
0x8: {  	[smem:$0x3FA6] =	sst s0  }
0x9: {  	[smem:$0x3FA7] =	sst s1  }
0xa: {  	[smem:$0x3FA8] =	sst s2  }
0xb: {  	[smem:$0x3FA9] =	sst s3  }
0xc: {  	[smem:$0x3FAA] =	sst s4  }
0xd: {  	[smem:$0x3FAB] =	sst s5  }
0xe: {  	[smem:$0x3FAC] =	sst s6  }
0xf: {  	[smem:$0x3FAD] =	sst s7  }
0x10: {  	[smem:$0x3FAE] =	sst s8  }
0x11: {  	[smem:$0x3FAF] =	sst s9;
	s0 =	simm.s32 @!p0 $0x0  }
0x12: {  	s1 =	sld [smem:$0x3F95];
	s0 =	simm.s32 @p0 $0x1  }
0x13: {  	[smem:$0x3FB0] =	sst s0;
	s0 =	simm.s32 @!p1 $0x0  }
0x14: {  	s2 =	sld [smem:$0x3F94];
	s0 =	simm.s32 @p1 $0x1  }
0x15: {  	[smem:$0x3FB1] =	sst s0;
	s0 =	simm.s32 @!p2 $0x0  }
0x16: {  	s3 =	sld [smem:$0x3FDB];
	s0 =	simm.s32 @p2 $0x1  }
0x17: {  	s4 =	simm.s32 $0x1BF5;
	[smem:$0x3FB3] =	sst s0  }
0x18: {  	s0 =	sld [smem:$0x3F96];
	_ =	swait.ge [sflag:s4], $0x0  }
0x19: {  	s7 =	sld [smem:$0x3F97]  }
0x1a: {  	s8 =	sadd.s32 $0xFFFFE003, lr  }
0x1b: {  	s9 =	sadd.s32 $0xFFFFFEF7, lr;
	s5 =	simm.s32 $0xFFFFFFFF;
	p2 =	slt.u32 s8, $0xFFFFF086  }
0x1c: {  	p1 =	slt.u32 s9, $0xF7A;
	s5 =	simm.s32 @!p2 $0x0  }
0x1d: {  	s5 =	simm.s32 @p1 $0x1;
	p0 =	seq.s32 s7, s2  }
0x1e: {  	s7 =	smul.u32 @!p0 $0xF7A, s2;
	p2 =	seq.s32 @!p0 s5, $0x0  }
0x1f: {  	s9 =	smul.u32 $0xF7A, s1;
	s8 =	simm.s32 @!p0 $0x1BF5;
	p2 =	por !p2, p0  }
0x20: {  	[sflag:s8] =	ssyncset.s32 @!p0 $0xFFFFF086;
	s6 =	sadd.s32 @!p0 s3, s7;
	s7 =	simm.s32 @!p0 $0x108  }
0x21: {  	s3 =	sadd.s32 s3, s9;
	s6 =	sadd.s32 @!p0 $0x88, s6;
	s7 =	simm.s32 @p2 $0x1082  }
0x22: {  	[simem:s7], [sflag:s8] =	dma.local @!p0 [hbm:s6], $0xF7A  }
0x23: {  	s9 =	sor.u32 $0xD0000000, s2;
	s6 =	simm.s32 $0x108;
	_ =	swait.ge @!p0 [sflag:s8], $0x0  }
0x24: {  	s3 =	sadd.s32 $0x88, s3;
	s6 =	simm.s32 @!p1 $0x1082;
	[sflag:s4] =	ssyncset.s32 $0xFFFFF086  }
0x25: {  	[simem:s6], [sflag:s4] =	dma.local [hbm:s3], $0xF7A  }
0x26: {  	[smem:$0x3F97] =	sst s1;
	(tag) =	ssettag s2;
	_ =	strace s9  }
0x27: {  	s1 =	sld [smem:$0x3FA7]  }
0x28: {  	s2 =	sld [smem:$0x3FA8]  }
0x29: {  	s4 =	sld [smem:$0x3FAA]  }
0x2a: {  	p0 =	seq.s32 s5, $0x0;
	s5 =	sld [smem:$0x3FAB]  }
0x2b: {  	s6 =	sld [smem:$0x3FAC]  }
0x2c: {  	s7 =	sld [smem:$0x3FAD]  }
0x2d: {  	s3 =	simm.s32 $0x108;
	s8 =	sld [smem:$0x3FAE]  }
0x2e: {  	s3 =	simm.s32 @!p0 $0x1082;
	s9 =	sld [smem:$0x3FAF]  }
0x2f: {  	lr =	sadd.s32 s0, s3;
	s0 =	sld [smem:$0x3FA6]  }
0x30: {  	s3 =	sld [smem:$0x3FA9]  }
0x31: {  	[smem:$0x3FB2] =	sst s10  }
0x32: {  	s10 =	sld [smem:$0x3FB0];
	_ =	sdelay $0x3  }
0x33: {  	p0 =	seq.s32 s10, $0x1;
	s10 =	sld [smem:$0x3FB2];
	_ =	sdelay $0x3  }
0x34: {  	[smem:$0x3FB2] =	sst s10  }
0x35: {  	s10 =	sld [smem:$0x3FB1];
	_ =	sdelay $0x3  }
0x36: {  	p1 =	seq.s32 s10, $0x1;
	s10 =	sld [smem:$0x3FB2];
	_ =	sdelay $0x3  }
0x37: {  	[smem:$0x3FB2] =	sst s10  }
0x38: {  	s10 =	sld [smem:$0x3FB3]  }
0x39: {  	_ = 	snop;
	(pc) =	sbr.ind lr, $3  }
0x3a: {  	_ = 	snop  }
0x3b: {  	_ = 	snop  }
0x3c: {  	p2 =	seq.s32 s10, $0x1;
	s10 =	sld [smem:$0x3FB2]  }
0x3d: {  	_ =	shalt  }
0x3e: {  	_ =	shalt  }
0x3f: {  	_ =	shalt  }
0x40: {  	_ =	shalt  }
0x41: {  	_ =	shalt  }
0x42: {  	_ =	shalt  }
0x43: {  	_ =	shalt  }
0x44: {  	_ =	shalt  }
0x45: {  	_ =	shalt  }
0x46: {  	_ =	shalt  }
0x47: {  	_ =	shalt  }
0x48: {  	_ =	shalt  }
0x49: {  	_ =	shalt  }
0x4a: {  	_ =	shalt  }
0x4b: {  	_ =	shalt  }
0x4c: {  	_ =	shalt  }
0x4d: {  	_ =	shalt  }
0x4e: {  	_ =	shalt  }
0x4f: {  	_ =	shalt  }
0x50: {  	_ =	shalt  }
0x51: {  	_ =	shalt  }
0x52: {  	_ =	shalt  }
0x53: {  	_ =	shalt  }
0x54: {  	_ =	shalt  }
0x55: {  	_ =	shalt  }
0x56: {  	_ =	shalt  }
0x57: {  	_ =	shalt  }
0x58: {  	_ =	shalt  }
0x59: {  	_ =	shalt  }
0x5a: {  	_ =	shalt  }
0x5b: {  	_ =	shalt  }
0x5c: {  	_ =	shalt  }
0x5d: {  	_ =	shalt  }
0x5e: {  	_ =	shalt  }
0x5f: {  	_ =	shalt  }
0x60: {  	_ =	shalt  }
0x61: {  	_ =	shalt  }
0x62: {  	_ =	shalt  }
0x63: {  	_ =	shalt  }
0x64: {  	_ =	shalt  }
0x65: {  	_ =	shalt  }
0x66: {  	_ =	shalt  }
0x67: {  	_ =	shalt  }
0x68: {  	_ =	shalt  }
0x69: {  	_ =	shalt  }
0x6a: {  	_ =	shalt  }
0x6b: {  	_ =	shalt  }
0x6c: {  	_ =	shalt  }
0x6d: {  	_ =	shalt  }
0x6e: {  	_ =	shalt  }
0x6f: {  	_ =	shalt  }
0x70: {  	_ =	shalt  }
0x71: {  	_ =	shalt  }
0x72: {  	_ =	shalt  }
0x73: {  	_ =	shalt  }
0x74: {  	_ =	shalt  }
0x75: {  	_ =	shalt  }
0x76: {  	_ =	shalt  }
0x77: {  	_ =	shalt  }
0x78: {  	_ =	shalt  }
0x79: {  	_ =	shalt  }
0x7a: {  	_ =	shalt  }
0x7b: {  	_ =	shalt  }
0x7c: {  	_ =	shalt  }
0x7d: {  	_ =	shalt  }
0x7e: {  	_ =	shalt  }
0x7f: {  	_ =	shalt  }
0x80: {  	_ =	shalt  }
0x81: {  	_ =	shalt  }
0x82: {  	_ =	shalt  }
0x83: {  	_ =	shalt  }
0x84: {  	_ =	shalt  }
0x85: {  	_ =	shalt  }
0x86: {  	_ =	shalt  }
0x87: {  	_ =	shalt  }
.Lfunc_end0:
.L_simem_size_0:
called_computation_lowered:
.L_overlay_start_0:
0x88: {  	s2 =	sld [smem:$0x3FD9]  }
0x89: {  	s3 =	sld [smem:$0x3FFE];
	_ =	sdelay $0x1  }
0x8a: {  	s1 =	srdreg.scid  }
0x8b: {  	s0 =	sand.u32 $0x1, s1  }
0x8c: {  	s17 =	sshll.u32 s0, $0xA;
	s2 =	sadd.s32 s3, s2  }
0x8d: {  	s2 =	sadd.s32 s2, s17  }
0x8e: {  	[smem:$0x3FBE] =	sst s2  }
0x8f: {  	_ = 	snop  }
0x90: {  	s2 =	sld [smem:$0x3FC8]  }
0x91: {  	s18 =	sld [smem:$0x3FC7]  }
0x92: {  	s4 =	sld [smem:$0x3FD0];
	(tm) =	ssettm $0x1  }
0x93: {  	s5 =	sld [smem:$0x3FFB];
	_ =	sdelay $0x3  }
0x94: {  	_ =	strace s5  }
0x95: {  	s5 =	sld [smem:$0x3FFC];
	_ =	sdelay $0x3  }
0x96: {  	_ =	strace s5  }
0x97: {  	s5 =	sld [smem:$0x3FFD];
	_ =	sdelay $0x3  }
0x98: {  	_ =	strace s5  }
0x99: {  	_ =	strace $0x8FFFFFFF  }
0x9a: {  	s19 =	sld [smem:$0x3FDB];
	_ =	sdelay $0x1  }
0x9b: {  	s6 =	simm.s32 $_scs_section_size  }
0x9c: {  	s7 =	simm.s32 $_size__tile_overlayer_lowered;
	s8 =	simm.s32 $_tile_overlayer_lowered  }
0x9d: {  	s22 =	simm.s32 $0x1BFF;
	s21 =	sshll.u32 s8, $0x1;
	s5 =	sadd.s32 s6, s19  }
0x9e: {  	s9 =	simm.s32 $0x0;
	s20 =	sshll.u32 s7, $0x1;
	s7 =	sadd.s32 s21, s5  }
0x9f: {  	[timem:s9], [sflag:s22] =	dma.local [hbm:s7], s20  }
0xa0: {  	_ =	swait.ge [sflag:s22], s20  }
0xa1: {  	s6 =	ssub.s32 $0x0, s20;
	[sflag:s22] =	ssyncset.done $0x0  }
0xa2: {  	[sflag:s22] =	ssyncadd.s32 s6;
	_ =	sdelay $0x1  }
0xa3: {  	s23 =	simm.s32 $0x1B8B  }
0xa4: {  	_ =	swait.ge [sflag:s23], $0x1  }
0xa5: {  	[sflag:s23] =	ssyncset.done $0x0  }
0xa6: {  	s25 =	simm.s32 $0x1B8E;
	s24 =	sld [smem:$0x3FFE];
	[sflag:s23] =	ssyncadd.s32 $0xFFFFFFFF  }
0xa7: {  	s26 =	simm.s32 $execute0_lowered;
	[smem:$0x3FD2] =	sst s25  }
0xa8: {  	s7 =	sshll.u32 s26, $0x1;
	_ =	strace $0x80000046;
	[dreg:$0x1] =	wrdreg $0xFFFFFFFF  }
0xa9: {  	s28 =	simm.s32 $_size_execute0_lowered;
	s5 =	sadd.s32 s5, s7;
	[dreg:$0x0] =	wrdreg $0x0  }
0xaa: {  	s7 =	sshll.u32 s28, $0x1;
	[dreg:$0x2] =	wrdreg s5  }
0xab: {  	[dreg:$0x3] =	wrdreg s7  }
0xac: {  	[dreg:$0x4] =	wrdreg $0xC0  }
0xad: {  	_ =	task [dreg:s9], $0x5FFFF  }
0xae: {  	[dreg:$0x1] =	wrdreg $0xFFFFFFFF  }
0xaf: {  	[dreg:$0x0] =	wrdreg $0x60  }
0xb0: {  	[dreg:$0x2] =	wrdreg s24  }
0xb1: {  	[dreg:$0x3] =	wrdreg s2  }
0xb2: {  	[dreg:$0x4] =	wrdreg s18  }
0xb3: {  	[dreg:$0x5] =	wrdreg s4  }
0xb4: {  	[dreg:$0x6] =	wrdreg $0x9  }
0xb5: {  	_ =	task.clear_ibuf [dreg:s9], $0x7FFFF;
	_ =	strace $0x90000046  }
0xb6: {  	s29 =	simm.s32 $0x9;
	_ =	strace $0x80000048  }
0xb7: {  	_ =	swait.ge [sflag:s29], $0x1  }
0xb8: {  	[sflag:s29] =	ssyncadd.s32 $0xFFFFFFFF  }
0xb9: {  	_ =	strace $0x90000048  }
0xba: {  	_ =	sfence  }
0xbb: {  	s30 =	sld [smem:$0x0];
	_ =	sdelay $0x2  }
0xbc: {  	s31 =	sshll.u32 s1, $0xD;
	s1 =	sshrl.u32 s1, $0x2  }
0xbd: {  	s3 =	sand.u32 $0x4000, s31;
	s1 =	sadd.s32 s1, s30  }
0xbe: {  	s0 =	sor.u32 s3, s0;
	s1 =	sshll.u32 s1, $0x11  }
0xbf: {  	s0 =	sor.u32 s1, s0  }
0xc0: {  	s0 =	sadd.s32 $0x8F2B, s0  }
0xc1: {  	[sflag:s0] =	ssyncadd.remote.s32 $0x1  }
0xc2: {  	_ =	sfence.sel $0xFFFF  }
0xc3: {  	[dreg:$0x0] =	wrdreg $0xFFFFFFFF;
	(pc) =	sbr.abs _section_cstart, $3  }
0xc4: {  	[dreg:$0x1] =	wrdreg $0xFFFFFFFF  }
0xc5: {  	_ =	task.clear_ibuf [dreg:s9], $0x2FFFF;
	_ =	strace $0x9FFFFFFF  }
0xc6: {  	(tm) =	ssettm $0x7FFFFFFF  }
0xc7: {  	_ =	shalt  }
tec
execute0_lowered:
.L_overlay_start_1:
0x0: {  	(tag) =	ssettag $0x1  }
0x1: {  	s0 =	rddreg [dreg:$0x0]  }
0x2: {  	s1 =	rddreg [dreg:$0x1]  }
0x3: {  	s2 =	rddreg [dreg:$0x2]  }
0x4: {  	s3 =	srdreg.scid;
	s19 =	stileid.u32;
	s28 =	simm.s32 $0xA000  }
0x5: {  	s30 =	simm.s32 $0x0;
	s13 =	sand.u32 $0x1, s3;
	s4 =	sshll.u32 s19, $0x1  }
0x6: {  	s3 =	simm.s32 $0x0;
	s5 =	sshrl.u32 s19, $0x2;
	s18 =	sadd.s32 $0x1400, s0  }
0x7: {  	s21 =	sadd.s32 $0x1410, s0;
	s22 =	sadd.s32 $0x1420, s0;
	s16 =	smul.u32 $0x4E20, s19  }
0x8: {  	s31 =	smul.u32 $0x9C40, s19;
	s19 =	simm.s32 $0x200;
	s4 =	sor.u32 s13, s4  }
0x9: {  	[smem:$0x7FF] =	sst s3;
	s5 =	smul.u32 $0x3C000, s5;
	s20 =	ssub.s32 $0x2, s13  }
0xa: {  	s29 =	smul.u32 $0x4E20, s13;
	_ =	strace $0x80000047;
	[dreg:$0x6] =	wrdreg s18  }
0xb: {  	s6 =	sshll.u32 s4, $0x7;
	s8 =	smul.u32 $0x2710, s4;
	[dreg:$0x7] =	wrdreg s21  }
0xc: {  	s7 =	sshrl.u32 s20, $0x1;
	[dreg:$0x8] =	wrdreg s22;
	s18 =	smul.u32 $0x2710, s13  }
0xd: {  	s21 =	simm.s32 $0x2800;
	s22 =	simm.s32 $0x5000;
	s6 =	sand.u32 $0x380, s6  }
0xe: {  	s15 =	ssub.s32 s20, s7;
	s7 =	sadd.s32 $0x1430, s0;
	[dreg:$0x5] =	wrdreg s29  }
0xf: {  	s20 =	simm.s32 $0x1;
	s5 =	sor.u32 s5, s6;
	s9 =	sand.u32 $0x7FF80, s8  }
0x10: {  	s17 =	sand.u32 $0x70, s8;
	s25 =	sadd.s32 s18, s16;
	s18 =	simm.s32 $0x80  }
0x11: {  	s5 =	sshrl.u32 s5, $0x3;
	s9 =	smin.u32 s9, $0x4BA00;
	s26 =	sand.u32 $0xFFF80, s25  }
0x12: {  	s14 =	sadd.s32 s5, s0;
	s10 =	ssub.s32 s8, s9;
	s23 =	sshrl.u32 s9, $0x2  }
0x13: {  	s9 =	sshrl.u32 s9, $0x3;
	s0 =	smin.u32 s26, $0x4BA00;
	s12 =	sadd.s32 $0x2700, s10  }
0x14: {  	s8 =	sadd.s32 s1, s23;
	s9 =	sadd.s32 s2, s9;
	s13 =	sadd.s32 $0x2800, s14  }
0x15: {  	s14 =	smax.u32 s15, $0x1;
	s15 =	ssub.s32 s25, s0;
	s10 =	sshll.u32 s12, $0x1  }
0x16: {  	s0 =	sshll.u32 s0, $0x1;
	s23 =	simm.s32 $0x7800;
	s10 =	sand.u32 $0xFFFFFF00, s10  }
0x17: {  	s24 =	sand.u32 $0xFFFFFF80, s12;
	s16 =	ssub.s32 s31, s0;
	s10 =	sor.u32 s17, s10  }
0x18: {  	v0 =	vimm.f32 $0.0e+00;
	s12 =	sor.u32 s17, s24;
	s17 =	sadd.s32 $0x16800, s15;
	s11 =	sadd.s32 $0x11800, s10  }
.LBB2_1:
0x19: {  	s0 =	rddreg [dreg:$0x6]  }
0x1a: {  	[tilespmem:s3], [sflag:$0x1] =	stream.strided.gather [hbm4b:s0+s18], $0x2800, s19, s18, $0x38;
	[tilespmem:$0x19080] =	vst v63  }
0x1b: {  	_ =	swait.ge [sflag:s20], $0x2800  }
0x1c: {  	[sflag:s20] =	ssyncset.done $0x0  }
0x1d: {  	s24 =	rddreg [dreg:$0x7];
	[sflag:s20] =	ssyncadd.s32 $0xFFFFD800  }
0x1e: {  	[tilespmem:s21], [sflag:$0x1] =	stream.strided.gather [hbm4b:s24+s18], $0x2800, s19, s18, $0x38;
	[tilespmem:$0x19080] =	vst v63  }
0x1f: {  	_ =	swait.ge [sflag:s20], $0x2800  }
0x20: {  	[sflag:s20] =	ssyncset.done $0x0  }
0x21: {  	s25 =	rddreg [dreg:$0x8];
	[sflag:s20] =	ssyncadd.s32 $0xFFFFD800  }
0x22: {  	[tilespmem:s22], [sflag:$0x1] =	stream.strided.gather [hbm4b:s25+s18], $0x2800, s19, s18, $0x38;
	[tilespmem:$0x19080] =	vst v63  }
0x23: {  	_ =	swait.ge [sflag:s20], $0x2800  }
0x24: {  	[sflag:s20] =	ssyncset.done $0x0  }
0x25: {  	[sflag:s20] =	ssyncadd.s32 $0xFFFFD800  }
0x26: {  	[tilespmem:s23], [sflag:$0x1] =	stream.strided.gather [hbm4b:s7+s18], $0x2800, s19, s18, $0x38;
	[tilespmem:$0x19080] =	vst v63  }
0x27: {  	_ =	swait.ge [sflag:s20], $0x2800  }
0x28: {  	[sflag:s20] =	ssyncset.done $0x0  }
0x29: {  	s26 =	simm.s32 $0x11800;
	[sflag:s20] =	ssyncadd.s32 $0xFFFFD800  }
0x2a: {  	[tilespmem:s26], [sflag:$0x1] =	stream.linear.gather [hbm4b:s8+s3], $0x5000, $0x38;
	[tilespmem:$0x19080] =	vst v63  }
0x2b: {  	_ =	swait.ge [sflag:s20], $0x5000  }
0x2c: {  	[sflag:s20] =	ssyncset.done $0x0  }
0x2d: {  	s29 =	simm.s32 $0x16800;
	[sflag:s20] =	ssyncadd.s32 $0xFFFFB000  }
0x2e: {  	[tilespmem:s29], [sflag:$0x1] =	stream.linear.gather [hbm4b:s9+s3], $0x2800, $0x38;
	[tilespmem:$0x19080] =	vst v63  }
0x2f: {  	_ =	swait.ge [sflag:s20], $0x2800  }
0x30: {  	[sflag:s20] =	ssyncset.done $0x0  }
0x31: {  	[sflag:s20] =	ssyncadd.s32 $0xFFFFD800  }
0x32: {  	s1 =	simm.s32 $0x19000;
	s31 =	rddreg [dreg:$0x3]  }
0x33: {  	[tilespmem:s1], [sflag:$0x1] =	stream.linear.gather [hbm4b:s31+s3], $0x80, $0x38;
	[tilespmem:$0x19080] =	vst v63  }
0x34: {  	_ =	swait.ge [sflag:s20], $0x80  }
0x35: {  	[sflag:s20] =	ssyncset.done $0x0  }
0x36: {  	[sflag:s20] =	ssyncadd.s32 $0xFFFFFF80  }
0x37: {  	v4 =	vld [tilespmem:$0x19000]  }
0x38: {  	v3 =	vld [tilespmem:$0x19010]  }
0x39: {  	s0 =	simm.s32 $0xA040;
	v1 =	vld [tilespmem:$0x19020]  }
0x3a: {  	v2 =	vld [tilespmem:$0x19030];
	[tilespmem:s0+$0xFFFFFFC0] =	vst v0  }
0x3b: {  	[tilespmem:s0+$0x30] =	vst v0  }
0x3c: {  	[tilespmem:s0+$0x20] =	vst v0  }
0x3d: {  	[tilespmem:s0+$0x10] =	vst v0  }
0x3e: {  	[tilespmem:s0+$0x0] =	vst v0  }
0x3f: {  	[tilespmem:s0+$0xFFFFFFF0] =	vst v0  }
0x40: {  	s1 =	simm.s32 $0x0;
	[tilespmem:s0+$0xFFFFFFE0] =	vst v0  }
.LBB2_2:
0x41: {  	s1 =	sadd.s32 $0x80, s1;
	[tilespmem:s0+$0xFFFFFFD0] =	vst v0;
	s0 =	sadd.s32 $0x80, s0  }
0x42: {  	[tilespmem:s0+$0xFFFFFFC0] =	vst v0;
	p0 =	slt.u32 s1, $0x7780  }
0x43: {  	[tilespmem:s0+$0x30] =	vst v0  }
.Ltmp0:
0x44: {  	[tilespmem:s0+$0x20] =	vst v0;
	(pc) =	sbr.rel @p0 .LBB2_2-.Ltmp0, $4  }
0x45: {  	[tilespmem:s0+$0x10] =	vst v0  }
0x46: {  	[tilespmem:s0+$0x0] =	vst v0  }
0x47: {  	[tilespmem:s0+$0xFFFFFFF0] =	vst v0  }
0x48: {  	[tilespmem:s0+$0xFFFFFFE0] =	vst v0  }
0x49: {  	[tilespmem:s0+$0xFFFFFFD0] =	vst v0  }
0x4a: {  	s1 =	sadd.s32 $0xFFFFFFC0, s15;
	s0 =	rddreg [dreg:$0x5]  }
0x4b: {  	s25 =	sadd.s32 $0x40, s1;
	s26 =	sadd.s32 $0x60, s1;
	s0 =	sadd.s32 s16, s0  }
0x4c: {  	s29 =	sadd.s32 $0x50, s1;
	s25 =	sand.u32 $0x70, s25;
	s31 =	sadd.s32 $0x40, s0  }
0x4d: {  	v9 =	vld [tilespmem:s17+$0x10];
	s4 =	sand.u32 $0x70, s26;
	s2 =	sand.u32 $0xFFFFFF00, s0;
	s31 =	sand.u32 $0xFFFFFF00, s31  }
0x4e: {  	v10 =	vld [tilespmem:s17+$0x20];
	s24 =	sadd.s32 $0x20, s0;
	s2 =	sor.u32 s25, s2;
	s25 =	sor.u32 s4, s31  }
0x4f: {  	s5 =	sand.u32 $0x70, s29;
	s24 =	sand.u32 $0xFFFFFF00, s24;
	v5 =	vld [tilespmem:s25+$0x11800]  }
0x50: {  	v14 =	vld [tilespmem:s17+$0x30];
	s24 =	sor.u32 s5, s24  }
0x51: {  	s1 =	sadd.s32 $0x70, s1;
	s0 =	sadd.s32 $0x60, s0;
	s6 =	sadd.s32 $0x11800, s25;
	v7 =	vld [tilespmem:s24+$0x11800]  }
0x52: {  	s1 =	sand.u32 $0x70, s1;
	s0 =	sand.u32 $0xFFFFFF00, s0;
	v17 =	vld [tilespmem:s6+$0x80]  }
0x53: {  	v6 =	vld [tilespmem:s2+$0x11800];
	s0 =	sor.u32 s1, s0  }
0x54: {  	v8 =	vld [tilespmem:s0+$0x11800];
	s24 =	sadd.s32 $0x11800, s24  }
0x55: {  	s1 =	sadd.s32 $0x11800, s0;
	v23 =	vld [tilespmem:s24+$0x80]  }
0x56: {  	v18 =	vld [tilespmem:s1+$0x80]  }
0x57: {  	v13 =	vld.idx.msk [tilespmem:v5+s3+$0x0], $0xffff  }
0x58: {  	v20 =	vld.idx.msk [tilespmem:v5+s21+$0x0], $0xffff  }
0x59: {  	v24 =	vld.idx.msk [tilespmem:v7+s21+$0x0], $0xffff  }
0x5a: {  	v11 =	vld.idx.msk [tilespmem:v17+s23+$0x0], $0xffff  }
0x5b: {  	v5 =	vld.idx.msk [tilespmem:v17+s22+$0x0], $0xffff  }
0x5c: {  	v15 =	vld.idx.msk [tilespmem:v7+s3+$0x0], $0xffff  }
0x5d: {  	v7 =	vld.idx.msk [tilespmem:v23+s22+$0x0], $0xffff  }
0x5e: {  	v12 =	vld.idx.msk [tilespmem:v23+s23+$0x0], $0xffff  }
0x5f: {  	v27 =	vld [tilespmem:s17+$0x0];
	s25 =	sadd.s32 $0x11800, s2;
	v21 =	vmul.f32 v10, v4;
	v10 =	vmul.f32 v10, v3;
	v11 =	vadd.f32 v11, v20  }
0x60: {  	s26 =	rddreg [dreg:$0x5];
	s31 =	sadd.s32 $0x80, s16;
	s2 =	sadd.s32 $0x0, s15;
	v16 =	vadd.f32 v5, v13;
	v5 =	vld [tilespmem:s25+$0x80]  }
0x61: {  	v22 =	vmul.f32 v9, v4;
	s0 =	sadd.s32 s31, s26;
	s4 =	sadd.s32 $0x40, s2;
	v19 =	vld.idx.msk [tilespmem:v8+s21+$0x0], $0xffff;
	v10 =	vadd.f32 v11, v10  }
0x62: {  	v29 =	vmul.f32 v14, v3;
	s29 =	sand.u32 $0xFFFFFF00, s0;
	s6 =	sadd.s32 $0x60, s2;
	s24 =	sand.u32 $0x70, s4;
	v26 =	vld.idx.msk [tilespmem:v18+s23+$0x0], $0xffff;
	v7 =	vadd.f32 v7, v15;
	v16 =	vadd.f32 v16, v21  }
0x63: {  	s5 =	sadd.s32 $0x40, s0;
	s1 =	sor.u32 s24, s29;
	s29 =	sand.u32 $0x70, s6;
	v21 =	vld.idx.msk [tilespmem:v8+s3+$0x0], $0xffff;
	v8 =	vmul.f32 v9, v3;
	v9 =	vadd.f32 v12, v24;
	v25 =	vmul.f32 $2.000000030e-01, v10  }
0x64: {  	s25 =	sand.u32 $0xFFFFFF00, s5;
	s5 =	sadd.s32 $0x60, s0;
	s0 =	sadd.s32 $0x20, s0;
	v11 =	vld.idx.msk [tilespmem:v18+s22+$0x0], $0xffff;
	v7 =	vadd.f32 v7, v22;
	v12 =	vmul.f32 $2.000000030e-01, v16;
	vm1 =	vge.f32 v10, $0.0e+00  }
0x65: {  	s24 =	sor.u32 s29, s25;
	s29 =	sand.u32 $0xFFFFFF00, s0;
	s0 =	sadd.s32 $0x40, s17;
	v22 =	vld.idx.msk [tilespmem:v6+s21+$0x0], $0xffff;
	vm0 =	vge.f32 v16, $0.0e+00;
	v8 =	vadd.f32 v9, v8;
	v10 =	vsel vm1, v10, v25  }
0x66: {  	v32 =	vld [tilespmem:s0+$0x20];
	v9 =	vsel vm0, v16, v12;
	v12 =	vmul.f32 $2.000000030e-01, v7;
	v10 =	vmul.f32 v10, v2  }
0x67: {  	v25 =	vld.idx.msk [tilespmem:v6+s3+$0x0], $0xffff;
	v6 =	vmul.f32 v9, v1;
	v9 =	vmul.f32 $2.000000030e-01, v8  }
0x68: {  	v26 =	vadd.f32 v26, v19;
	vm8 =	vge.f32 v7, $0.0e+00;
	vm9 =	vge.f32 v8, $0.0e+00;
	v16 =	vld.idx.msk [tilespmem:v5+s22+$0x0], $0xffff  }
0x69: {  	s4 =	sadd.s32 $0x70, s2;
	v7 =	vsel vm8, v7, v12;
	v28 =	vld.idx.msk [tilespmem:v5+s23+$0x0], $0xffff;
	v6 =	vadd.f32 v10, v6;
	v8 =	vsel vm9, v8, v9  }
0x6a: {  	s25 =	sand.u32 $0x70, s4;
	s26 =	sand.u32 $0xFFFFFF00, s5;
	v9 =	vmul.f32 v7, v1;
	v10 =	vld [tilespmem:s24+$0x11800];
	v8 =	vmul.f32 v8, v2  }
0x6b: {  	v14 =	vmul.f32 v14, v4;
	s6 =	sadd.s32 $0x11800, s24;
	v26 =	vadd.f32 v26, v29;
	v12 =	vld [tilespmem:s1+$0x11800];
	s24 =	sor.u32 s25, s26;
	v6 =	vmul.f32 $1.442695020e+00, v6  }
0x6c: {  	v30 =	vmul.f32 v27, v4;
	v11 =	vadd.f32 v11, v21;
	v8 =	vadd.f32 v8, v9;
	v9 =	vld [tilespmem:s24+$0x11800]  }
0x6d: {  	v27 =	vmul.f32 v27, v3;
	s2 =	sadd.s32 $0x50, s2;
	v7 =	vld [tilespmem:s6+$0x80];
	s25 =	sadd.s32 $0x11800, s24;
	(erf) = vpow2.f32 v6  }
0x6e: {  	s2 =	sand.u32 $0x70, s2;
	v31 =	vmul.f32 $2.000000030e-01, v26;
	v14 =	vadd.f32 v11, v14;
	v6 =	vld [tilespmem:s25+$0x80];
	v8 =	vmul.f32 $1.442695020e+00, v8  }
0x6f: {  	s2 =	sor.u32 s2, s29;
	vm10 =	vge.f32 v26, $0.0e+00;
	v29 =	vadd.f32 v16, v25;
	v16 =	vld [tilespmem:s0+$0x10];
	v11 =	vadd.f32 v28, v22  }
0x70: {  	v26 =	vsel vm10, v26, v31;
	v28 =	vld [tilespmem:s2+$0x11800];
	(erf) = vpow2.f32 v8  }
0x71: {  	v29 =	vadd.f32 v29, v30;
	v30 =	vld [tilespmem:s0+$0x30];
	v27 =	vadd.f32 v11, v27;
	v8 =	vmul.f32 $2.000000030e-01, v14  }
0x72: {  	v26 =	vmul.f32 v26, v2;
	vm11 =	vge.f32 v14, $0.0e+00;
	v11 =	vld.idx.msk [tilespmem:v10+s3+$0x0], $0xffff  }
0x73: {  	v31 =	vmul.f32 $2.000000030e-01, v29;
	v33 =	vmul.f32 $2.000000030e-01, v27;
	v10 =	vld.idx.msk [tilespmem:v10+s21+$0x0], $0xffff;
	v14 =	vsel vm11, v14, v8  }
0x74: {  	vm12 =	vge.f32 v29, $0.0e+00;
	vm13 =	vge.f32 v27, $0.0e+00;
	v14 =	vmul.f32 v14, v1;
	v8 =	vld.idx.msk [tilespmem:v9+s21+$0x0], $0xffff  }
0x75: {  	v29 =	vsel vm12, v29, v31;
	v27 =	vsel vm13, v27, v33;
	v9 =	vld.idx.msk [tilespmem:v9+s3+$0x0], $0xffff  }
0x76: {  	v29 =	vmul.f32 v29, v1;
	v27 =	vmul.f32 v27, v2;
	v31 =	vld.idx.msk [tilespmem:v6+s23+$0x0], $0xffff;
	v14 =	vadd.f32 v26, v14;
	v59 =	vpop (erf)  }
0x77: {  	v26 =	vld.idx.msk [tilespmem:v6+s22+$0x0], $0xffff;
	v13 =	vmul.f32 v59, v13  }
0x78: {  	v27 =	vadd.f32 v27, v29;
	v34 =	vmul.f32 $1.442695020e+00, v14;
	v14 =	vld.idx.msk [tilespmem:v28+s21+$0x0], $0xffff  }
0x79: {  	v29 =	vadd.s32 $0x2800, v23;
	[tilespmem:v17+s28+$0x0] =	vst.idx.add.f32.msk $0xffff, v13;
	v35 =	vpop (erf)  }
0x7a: {  	s2 =	sadd.s32 $0x11800, s2;
	v27 =	vmul.f32 $1.442695020e+00, v27;
	v13 =	vld.idx.msk [tilespmem:v28+s3+$0x0], $0xffff;
	v28 =	vmul.f32 v35, v15  }
0x7b: {  	v36 =	vadd.s32 $0x5000, v23;
	(erf) = vpow2.f32 v34;
	v15 =	vld [tilespmem:s2+$0x80]  }
0x7c: {  	v24 =	vmul.f32 v35, v24;
	(erf) = vpow2.f32 v27;
	[tilespmem:v23+s28+$0x0] =	vst.idx.add.f32.msk $0xffff, v28;
	v23 =	vadd.s32 $0x2800, v17  }
0x7d: {  	v60 =	vld.idx.msk [tilespmem:v7+s22+$0x0], $0xffff;
	v27 =	vadd.f32 v31, v8;
	v28 =	vmul.f32 v30, v3;
	v17 =	vadd.s32 $0x5000, v17  }
0x7e: {  	[tilespmem:v29+s28+$0x0] =	vst.idx.add.f32.msk $0xffff, v24;
	v24 =	vadd.f32 v26, v9  }
0x7f: {  	v61 =	vld.idx.msk [tilespmem:v7+s23+$0x0], $0xffff;
	v26 =	vmul.f32 v30, v4;
	v29 =	vmul.f32 v59, v20;
	v28 =	vadd.f32 v27, v28  }
0x80: {  	[tilespmem:v36+s28+$0x0] =	vst.idx.add.f32.msk $0xffff, v35  }
0x81: {  	v63 =	vmul.f32 v32, v3;
	v24 =	vadd.f32 v24, v26;
	v26 =	vmul.f32 $2.000000030e-01, v28;
	[tilespmem:v23+s28+$0x0] =	vst.idx.add.f32.msk $0xffff, v29  }
0x82: {  	v62 =	vadd.s32 $0x2800, v18;
	v32 =	vmul.f32 v32, v4;
	v34 =	vadd.f32 v60, v11;
	[tilespmem:v17+s28+$0x0] =	vst.idx.add.f32.msk $0xffff, v59  }
0x83: {  	v20 =	vmul.f32 v16, v4;
	vm14 =	vge.f32 v28, $0.0e+00;
	v23 =	vmul.f32 $2.000000030e-01, v24;
	v30 =	vld.idx.msk [tilespmem:v15+s22+$0x0], $0xffff  }
0x84: {  	s1 =	sadd.s32 $0x11800, s1;
	v27 =	vadd.s32 $0x5000, v18;
	vm15 =	vge.f32 v24, $0.0e+00;
	v17 =	vsel vm14, v28, v26;
	v28 =	vpop (erf);
	v31 =	vld.idx.msk [tilespmem:v15+s23+$0x0], $0xffff  }
0x85: {  	v37 =	vsel vm15, v24, v23;
	v17 =	vmul.f32 v17, v2;
	v24 =	vld [tilespmem:s1+$0x80];
	v21 =	vmul.f32 v28, v21;
	v26 =	vpop (erf)  }
0x86: {  	v35 =	vadd.f32 v61, v10;
	v38 =	vmul.f32 v28, v19;
	v23 =	vld [tilespmem:s0+$0x0];
	v29 =	vmul.f32 v26, v25  }
0x87: {  	v25 =	vadd.s32 $0x2800, v5;
	v19 =	vmul.f32 v26, v22;
	v22 =	vadd.f32 v34, v32;
	[tilespmem:v18+s28+$0x0] =	vst.idx.add.f32.msk $0xffff, v21  }
0x88: {  	s1 =	simm.s32 $0x40;
	v18 =	vmul.f32 v37, v1;
	v21 =	vadd.s32 $0x5000, v5;
	v32 =	vadd.f32 v35, v63;
	[tilespmem:v62+s28+$0x0] =	vst.idx.add.f32.msk $0xffff, v38  }
.LBB2_4:
0x89: {  	s2 =	rddreg [dreg:$0x5];
	s31 =	sadd.s32 $0x80, s31  }
0x8a: {  	s24 =	smov.u32 s1;
	s0 =	sadd.s32 $0x40, s0;
	s25 =	sadd.s32 s31, s2  }
0x8b: {  	[tilespmem:v27+s28+$0x0] =	vst.idx.add.f32.msk $0xffff, v28;
	s24 =	sadd.s32 s24, s15;
	s2 =	sand.u32 $0xFFFFFF00, s25;
	s26 =	sadd.s32 $0x20, s25  }
0x8c: {  	[tilespmem:v5+s28+$0x0] =	vst.idx.add.f32.msk $0xffff, v29;
	s29 =	sadd.s32 $0x40, s25;
	s4 =	sadd.s32 $0x40, s24;
	s5 =	sadd.s32 $0x50, s24  }
0x8d: {  	v16 =	vmul.f32 v16, v3;
	v28 =	vmul.f32 $2.000000030e-01, v22;
	[tilespmem:v25+s28+$0x0] =	vst.idx.add.f32.msk $0xffff, v19;
	s6 =	sadd.s32 $0x60, s24;
	s24 =	sadd.s32 $0x70, s24;
	s4 =	sand.u32 $0x70, s4;
	v30 =	vadd.f32 v30, v13  }
0x8e: {  	vm0 =	vge.f32 v22, $0.0e+00;
	v19 =	vld.idx.msk [tilespmem:v12+s21+$0x0], $0xffff;
	s29 =	sand.u32 $0xFFFFFF00, s29;
	s6 =	sand.u32 $0x70, s6;
	v27 =	vadd.f32 v31, v14;
	v31 =	vmul.f32 $2.000000030e-01, v32;
	v5 =	vmovc v24;
	s2 =	sor.u32 s4, s2  }
0x8f: {  	vm1 =	vge.f32 v32, $0.0e+00;
	v22 =	vsel vm0, v22, v28;
	[tilespmem:v21+s28+$0x0] =	vst.idx.add.f32.msk $0xffff, v26;
	s4 =	sand.u32 $0x70, s5;
	s5 =	sor.u32 s6, s29;
	s29 =	sadd.s32 $0x60, s25;
	v20 =	vadd.f32 v30, v20  }
0x90: {  	v55 =	vld [tilespmem:s0+$0x20];
	s26 =	sand.u32 $0xFFFFFF00, s26;
	v22 =	vmul.f32 v22, v1;
	s6 =	sand.u32 $0x70, s24;
	s24 =	sand.u32 $0xFFFFFF00, s29;
	v16 =	vadd.f32 v27, v16;
	v24 =	vsel vm1, v32, v31  }
0x91: {  	v21 =	vld.idx.msk [tilespmem:v12+s3+$0x0], $0xffff;
	s29 =	sor.u32 s4, s26;
	s26 =	sor.u32 s6, s24;
	v24 =	vmul.f32 v24, v2;
	v25 =	vmul.f32 $2.000000030e-01, v20  }
0x92: {  	v28 =	vld [tilespmem:s26+$0x11800];
	vm10 =	vge.f32 v20, $0.0e+00;
	v12 =	vmul.f32 $2.000000030e-01, v16  }
0x93: {  	vm11 =	vge.f32 v16, $0.0e+00;
	v26 =	vld.idx.msk [tilespmem:v5+s22+$0x0], $0xffff;
	v22 =	vadd.f32 v24, v22;
	v20 =	vsel vm10, v20, v25  }
0x94: {  	v25 =	vld.idx.msk [tilespmem:v5+s23+$0x0], $0xffff;
	v16 =	vsel vm11, v16, v12;
	v20 =	vmul.f32 v20, v1  }
0x95: {  	s25 =	sadd.s32 $0x11800, s5;
	v24 =	vld [tilespmem:s5+$0x11800];
	v16 =	vmul.f32 v16, v2;
	v22 =	vmul.f32 $1.442695020e+00, v22  }
0x96: {  	v27 =	vld [tilespmem:s25+$0x80]  }
0x97: {  	v29 =	vld [tilespmem:s29+$0x11800];
	s5 =	sadd.s32 $0x11800, s26;
	v16 =	vadd.f32 v16, v20;
	(erf) = vpow2.f32 v22  }
0x98: {  	v33 =	vld [tilespmem:s5+$0x80];
	v22 =	vmul.f32 v23, v4;
	v23 =	vmul.f32 v23, v3  }
0x99: {  	v12 =	vld [tilespmem:s2+$0x11800];
	v20 =	vadd.f32 v26, v21;
	v26 =	vmul.f32 $1.442695020e+00, v16;
	v25 =	vadd.f32 v25, v19  }
0x9a: {  	v16 =	vld [tilespmem:s0+$0x10]  }
0x9b: {  	v34 =	vld.idx.msk [tilespmem:v28+s21+$0x0], $0xffff;
	v22 =	vadd.f32 v20, v22;
	(erf) = vpow2.f32 v26;
	v23 =	vadd.f32 v25, v23  }
0x9c: {  	v56 =	vld.idx.msk [tilespmem:v28+s3+$0x0], $0xffff  }
0x9d: {  	v30 =	vld.idx.msk [tilespmem:v24+s3+$0x0], $0xffff;
	v25 =	vmul.f32 $2.000000030e-01, v22;
	v35 =	vmul.f32 $2.000000030e-01, v23  }
0x9e: {  	v26 =	vld [tilespmem:s0+$0x30];
	vm12 =	vge.f32 v22, $0.0e+00;
	vm13 =	vge.f32 v23, $0.0e+00  }
0x9f: {  	v24 =	vld.idx.msk [tilespmem:v24+s21+$0x0], $0xffff;
	v22 =	vsel vm12, v22, v25;
	v23 =	vsel vm13, v23, v35  }
0xa0: {  	v38 =	vadd.f32 v17, v18;
	v17 =	vld.idx.msk [tilespmem:v33+s22+$0x0], $0xffff;
	v22 =	vmul.f32 v22, v1;
	v23 =	vmul.f32 v23, v2;
	v31 =	vpop (erf)  }
0xa1: {  	v25 =	vld.idx.msk [tilespmem:v33+s23+$0x0], $0xffff;
	v37 =	vmul.f32 v31, v11  }
0xa2: {  	v11 =	vmov v30;
	v30 =	vld.idx.msk [tilespmem:v29+s21+$0x0], $0xffff;
	v18 =	vadd.f32 v23, v22;
	v23 =	vmul.f32 $1.442695020e+00, v38  }
0xa3: {  	s29 =	sadd.s32 $0x11800, s29;
	v22 =	vadd.s32 $0x2800, v15;
	[tilespmem:v7+s28+$0x0] =	vst.idx.add.f32.msk $0xffff, v37  }
0xa4: {  	v36 =	vpop (erf);
	v18 =	vmul.f32 $1.442695020e+00, v18;
	(erf) = vpow2.f32 v23;
	v23 =	vld [tilespmem:s29+$0x80]  }
0xa5: {  	v57 =	vadd.s32 $0x5000, v15;
	v28 =	vmul.f32 v31, v10;
	v10 =	vmovc v24;
	v59 =	vld.idx.msk [tilespmem:v27+s23+$0x0], $0xffff;
	v24 =	vmul.f32 v36, v13  }
0xa6: {  	v13 =	vld.idx.msk [tilespmem:v29+s3+$0x0], $0xffff;
	v14 =	vmul.f32 v36, v14;
	(erf) = vpow2.f32 v18;
	v18 =	vadd.s32 $0x2800, v7  }
0xa7: {  	v58 =	vadd.f32 v25, v34;
	[tilespmem:v15+s28+$0x0] =	vst.idx.add.f32.msk $0xffff, v24;
	v24 =	vmul.f32 v26, v3  }
0xa8: {  	v17 =	vadd.f32 v17, v56;
	v25 =	vmul.f32 v26, v4;
	[tilespmem:v22+s28+$0x0] =	vst.idx.add.f32.msk $0xffff, v14;
	v22 =	vadd.s32 $0x5000, v7  }
0xa9: {  	v29 =	vld.idx.msk [tilespmem:v27+s22+$0x0], $0xffff;
	v24 =	vadd.f32 v58, v24  }
0xaa: {  	v61 =	vmul.f32 v55, v3;
	v17 =	vadd.f32 v17, v25;
	[tilespmem:v57+s28+$0x0] =	vst.idx.add.f32.msk $0xffff, v36  }
0xab: {  	v60 =	vadd.s32 $0x2800, v6;
	v32 =	vmul.f32 v55, v4;
	v40 =	vmul.f32 $2.000000030e-01, v24;
	[tilespmem:v18+s28+$0x0] =	vst.idx.add.f32.msk $0xffff, v28  }
0xac: {  	s1 =	sadd.s32 $0x40, s1;
	v20 =	vmul.f32 v16, v4;
	v14 =	vmovc v30;
	v18 =	vmul.f32 $2.000000030e-01, v17;
	vm14 =	vge.f32 v24, $0.0e+00;
	v30 =	vld.idx.msk [tilespmem:v23+s22+$0x0], $0xffff  }
0xad: {  	p0 =	slt.u32 s1, $0x26C0;
	v25 =	vadd.s32 $0x2800, v5;
	vm15 =	vge.f32 v17, $0.0e+00;
	v7 =	vmovc v27;
	[tilespmem:v22+s28+$0x0] =	vst.idx.add.f32.msk $0xffff, v31;
	v22 =	vsel vm14, v24, v40  }
.Ltmp1:
0xae: {  	s2 =	sadd.s32 $0x11800, s2;
	v27 =	vadd.s32 $0x5000, v6;
	v28 =	vpop (erf);
	v31 =	vld.idx.msk [tilespmem:v23+s23+$0x0], $0xffff;
	v18 =	vsel vm15, v17, v18;
	v17 =	vmul.f32 v22, v2;
	(pc) =	sbr.rel @p0 .LBB2_4-.Ltmp1, $4  }
0xaf: {  	v24 =	vld [tilespmem:s2+$0x80];
	v39 =	vmul.f32 v28, v8;
	v22 =	vadd.f32 v29, v11;
	v62 =	vmul.f32 v28, v9;
	v26 =	vpop (erf)  }
0xb0: {  	v15 =	vmovc v23;
	v63 =	vadd.f32 v59, v10;
	v23 =	vld [tilespmem:s0+$0x0];
	v18 =	vmul.f32 v18, v1;
	v29 =	vmul.f32 v26, v21  }
0xb1: {  	v8 =	vmov v34;
	v19 =	vmul.f32 v26, v19;
	v22 =	vadd.f32 v22, v32;
	[tilespmem:v6+s28+$0x0] =	vst.idx.add.f32.msk $0xffff, v62  }
0xb2: {  	v9 =	vmovc v56;
	v21 =	vadd.s32 $0x5000, v5;
	v32 =	vadd.f32 v63, v61;
	v6 =	vmov v33;
	[tilespmem:v60+s28+$0x0] =	vst.idx.add.f32.msk $0xffff, v39  }
0xb3: {  	_ =	sdelay $0x3  }
0xb4: {  	v30 =	vadd.f32 v30, v13;
	v16 =	vmul.f32 v16, v3;
	v34 =	vld.idx.msk [tilespmem:v12+s21+$0x0], $0xffff  }
0xb5: {  	v31 =	vadd.f32 v31, v14;
	v35 =	vmul.f32 $2.000000030e-01, v22;
	v12 =	vld.idx.msk [tilespmem:v12+s3+$0x0], $0xffff;
	vm1 =	vge.f32 v22, $0.0e+00  }
0xb6: {  	v33 =	vmul.f32 $2.000000030e-01, v32;
	vm0 =	vge.f32 v32, $0.0e+00;
	v57 =	vld.idx.msk [tilespmem:v24+s22+$0x0], $0xffff;
	v20 =	vadd.f32 v30, v20  }
0xb7: {  	v59 =	vld.idx.msk [tilespmem:v24+s23+$0x0], $0xffff;
	v16 =	vadd.f32 v31, v16;
	v22 =	vsel vm1, v22, v35;
	v62 =	vmul.f32 v23, v4  }
0xb8: {  	v56 =	vsel vm0, v32, v33;
	v22 =	vmul.f32 v22, v1;
	v58 =	vmul.f32 $2.000000030e-01, v20  }
0xb9: {  	v30 =	vmul.f32 v56, v2;
	v60 =	vmul.f32 $2.000000030e-01, v16;
	vm10 =	vge.f32 v20, $0.0e+00  }
0xba: {  	v35 =	vmul.f32 v23, v3;
	vm11 =	vge.f32 v16, $0.0e+00;
	v20 =	vsel vm10, v20, v58  }
0xbb: {  	v16 =	vsel vm11, v16, v60;
	v22 =	vadd.f32 v30, v22;
	v61 =	vadd.f32 v57, v12  }
0xbc: {  	v63 =	vadd.f32 v59, v34;
	v20 =	vmul.f32 v20, v1;
	v16 =	vmul.f32 v16, v2  }
0xbd: {  	v36 =	vmul.f32 $1.442695020e+00, v22;
	v37 =	vadd.f32 v61, v62  }
0xbe: {  	v23 =	vadd.f32 v63, v35;
	v16 =	vadd.f32 v16, v20  }
0xbf: {  	v17 =	vadd.f32 v17, v18;
	(erf) = vpow2.f32 v36;
	v38 =	vmul.f32 $2.000000030e-01, v37  }
0xc0: {  	v39 =	vmul.f32 $2.000000030e-01, v23;
	v16 =	vmul.f32 $1.442695020e+00, v16  }
0xc1: {  	v17 =	vmul.f32 $1.442695020e+00, v17;
	vm12 =	vge.f32 v37, $0.0e+00;
	vm13 =	vge.f32 v23, $0.0e+00  }
0xc2: {  	v40 =	vsel vm12, v37, v38;
	v41 =	vsel vm13, v23, v39;
	(erf) = vpow2.f32 v16  }
0xc3: {  	v16 =	vmul.f32 v40, v1;
	v42 =	vmul.f32 v41, v2;
	_ =	sdelay $0x1  }
0xc4: {  	(erf) = vpow2.f32 v17;
	v16 =	vadd.f32 v42, v16;
	_ =	sdelay $0x1  }
0xc5: {  	v16 =	vmul.f32 $1.442695020e+00, v16  }
0xc6: {  	[tilespmem:v27+s28+$0x0] =	vst.idx.add.f32.msk $0xffff, v28;
	v48 =	vadd.s32 $0x2800, v7  }
0xc7: {  	[tilespmem:v5+s28+$0x0] =	vst.idx.add.f32.msk $0xffff, v29;
	v50 =	vadd.s32 $0x5000, v7;
	v43 =	vpop (erf);
	(erf) = vpow2.f32 v16  }
0xc8: {  	[tilespmem:v25+s28+$0x0] =	vst.idx.add.f32.msk $0xffff, v19;
	v11 =	vmul.f32 v43, v11  }
0xc9: {  	v44 =	vadd.s32 $0x2800, v15;
	[tilespmem:v21+s28+$0x0] =	vst.idx.add.f32.msk $0xffff, v26;
	v10 =	vmul.f32 v43, v10  }
0xca: {  	v45 =	vpop (erf);
	[tilespmem:v7+s28+$0x0] =	vst.idx.add.f32.msk $0xffff, v11  }
0xcb: {  	v46 =	vadd.s32 $0x5000, v15;
	v47 =	vmul.f32 v45, v13;
	[tilespmem:v48+s28+$0x0] =	vst.idx.add.f32.msk $0xffff, v10  }
0xcc: {  	v51 =	vadd.s32 $0x2800, v6;
	v49 =	vmul.f32 v45, v14;
	v53 =	vpop (erf);
	[tilespmem:v50+s28+$0x0] =	vst.idx.add.f32.msk $0xffff, v43  }
0xcd: {  	v52 =	vadd.s32 $0x5000, v6;
	v9 =	vmul.f32 v53, v9;
	[tilespmem:v15+s28+$0x0] =	vst.idx.add.f32.msk $0xffff, v47  }
0xce: {  	[tilespmem:v44+s28+$0x0] =	vst.idx.add.f32.msk $0xffff, v49  }
0xcf: {  	v54 =	vadd.s32 $0x2800, v24;
	v55 =	vmul.f32 v53, v8;
	[tilespmem:v6+s28+$0x0] =	vst.idx.add.f32.msk $0xffff, v9  }
0xd0: {  	v57 =	vadd.s32 $0x5000, v24;
	[tilespmem:v46+s28+$0x0] =	vst.idx.add.f32.msk $0xffff, v45;
	v56 =	vpop (erf)  }
0xd1: {  	[tilespmem:v51+s28+$0x0] =	vst.idx.add.f32.msk $0xffff, v55;
	v58 =	vmul.f32 v56, v12  }
0xd2: {  	[tilespmem:v52+s28+$0x0] =	vst.idx.add.f32.msk $0xffff, v53;
	v59 =	vmul.f32 v56, v34  }
0xd3: {  	[tilespmem:v24+s28+$0x0] =	vst.idx.add.f32.msk $0xffff, v58  }
0xd4: {  	[tilespmem:v54+s28+$0x0] =	vst.idx.add.f32.msk $0xffff, v59  }
0xd5: {  	[tilespmem:v57+s28+$0x0] =	vst.idx.add.f32.msk $0xffff, v56  }
0xd6: {  	v5 =	vld [tilespmem:s10+$0x11800];
	_ =	sdelay $0x1  }
0xd7: {  	v6 =	vld [tilespmem:s11+$0x80];
	_ =	sdelay $0x4  }
0xd8: {  	v7 =	vld [tilespmem:s12+$0x16800]  }
0xd9: {  	v8 =	vld.idx.msk [tilespmem:v5+s3+$0x0], $0xffff  }
0xda: {  	v5 =	vld.idx.msk [tilespmem:v5+s21+$0x0], $0xffff  }
0xdb: {  	v9 =	vld.idx.msk [tilespmem:v6+s22+$0x0], $0xffff  }
0xdc: {  	v10 =	vld.idx.msk [tilespmem:v6+s23+$0x0], $0xffff;
	_ =	sdelay $0x3  }
0xdd: {  	v60 =	vmul.f32 v7, v4  }
0xde: {  	v3 =	vmul.f32 v7, v3;
	v9 =	vadd.f32 v9, v8;
	v10 =	vadd.f32 v10, v5;
	_ =	sdelay $0x1  }
0xdf: {  	v4 =	vadd.f32 v9, v60;
	v3 =	vadd.f32 v10, v3;
	_ =	sdelay $0x1  }
0xe0: {  	v61 =	vmul.f32 $2.000000030e-01, v4;
	v62 =	vmul.f32 $2.000000030e-01, v3  }
0xe1: {  	vm14 =	vge.f32 v4, $0.0e+00;
	vm15 =	vge.f32 v3, $0.0e+00  }
0xe2: {  	v4 =	vsel vm14, v4, v61;
	v3 =	vsel vm15, v3, v62  }
0xe3: {  	v1 =	vmul.f32 v4, v1;
	v2 =	vmul.f32 v3, v2;
	_ =	sdelay $0x1  }
0xe4: {  	v1 =	vadd.f32 v2, v1;
	_ =	sdelay $0x1  }
0xe5: {  	v1 =	vmul.f32 $1.442695020e+00, v1;
	_ =	sdelay $0x1  }
0xe6: {  	(erf) = vpow2.f32 v1;
	_ =	sdelay $0x7  }
0xe7: {  	v1 =	vadd.s32 $0x2800, v6  }
0xe8: {  	v3 =	vadd.s32 $0x5000, v6;
	v2 =	vpop (erf)  }
0xe9: {  	v63 =	vmul.f32 v2, v8  }
0xea: {  	v5 =	vmul.f32 v2, v5  }
0xeb: {  	s30 =	sadd.s32 $0x1, s30;
	[tilespmem:v6+s28+$0x0] =	vst.idx.add.f32.msk $0xffff, v63  }
0xec: {  	p0 =	sne.s32 s30, s14;
	[tilespmem:v1+s28+$0x0] =	vst.idx.add.f32.msk $0xffff, v5  }
.Ltmp2:
0xed: {  	s0 =	simm.s32 $0x400;
	[tilespmem:v3+s28+$0x0] =	vst.idx.add.f32.msk $0xffff, v2;
	(pc) =	sbr.rel @p0 .LBB2_1-.Ltmp2, $4  }
0xee: {  	[hbm4b:s13+s18] =	stream.strided.scatter [tilespmem:s28], [sflag:$0x1], $0x7800, s0, s18, $0x38;
	[tilespmem:$0x19080] =	vst v63  }
0xef: {  	_ =	swait.ge [sflag:s20], $0x7800  }
0xf0: {  	[sflag:s20] =	ssyncset.done $0x0  }
0xf1: {  	[sflag:s20] =	ssyncadd.s32 $0xFFFF8800  }
0xf2: {  	_ =	sfence.sel $0x180000  }
0xf3: {  	[bflag:$0x0] =	sbarrier.arrive $0xFFFF  }
0xf4: {  	_ =	strace $0x90000047  }
0xf5: {  	s0 =	stileid.u32;
	[bflag:$0x2] =	sbarrier.arrive $0xFFFF  }
0xf6: {  	p0 =	sne.s32 s0, $0x0;
	s0 =	rddreg [dreg:$0x4]  }
0xf7: {  	s0 =	sadd.s32 @!p0 $0x100000, s0  }
0xf8: {  	[sflag:s0] =	ssyncadd.tile.s32 @!p0 $0x1;
	_ =	shalt  }
.Lfunc_end2:
_tile_overlayer_lowered:
.L_overlay_start_2:
0xf9: {  	(tag) =	ssettag $0x2  }
0xfa: {  	s0 =	rddreg [dreg:$0x0];
	s2 =	stileid.u32  }
0xfb: {  	s1 =	rddreg [dreg:$0x1];
	p0 =	sne.s32 s2, $0x0  }
0xfc: {  	s3 =	rddreg [dreg:$0x2];
	[bflag:$0x3] =	sbarrier.arrive $0xFFFF;
	s2 =	simm.s32 @!p0 $0x1C01  }
0xfd: {  	[timem:s3], [sflag:s2] =	dma.local @!p0 [hbm:s0], s1  }
0xfe: {  	s0 =	simm.s32 @!p0 $0x1  }
0xff: {  	_ =	swait.ge @!p0 [sflag:s0], s1  }
0x100: {  	s1 =	ssub.s32 @!p0 $0x0, s1;
	[sflag:s0] =	ssyncset.done @!p0 $0x0  }
0x101: {  	[sflag:s0] =	ssyncadd.s32 @!p0 s1  }
0x102: {  	[bflag:$0x3] =	sbarrier.arrive $0xFFFF  }
0x103: {  	_ =	shalt  }

</sc_bundles>
